<compile_context>
chip_gen: v7x
topology: tpu7x:2x2x1
jax: 0.10.2.dev20260603
libtpu: 0.0.44.dev20260713+nightly
codegen_flags: <defaults>
</compile_context>

<pallas_src>
import functools

import jax
import jax.numpy as jnp
from jax import lax
from jax.experimental import pallas as pl
from jax.experimental.pallas import tpu as pltpu
from jax.experimental.pallas import tpu_sc as plsc

_G = 128
_D = 7
_LAG = 4


@functools.lru_cache(maxsize=None)
def _build(batch, seq, vocab, embed):
    info = plsc.get_sparse_core_info()
    nc, ns = info.num_cores, info.num_subcores
    nw = nc * ns
    assert batch % (nw * _G) == 0
    num_idx = batch * seq
    per_w = num_idx // nw
    nchunk = seq
    lag = _LAG
    assert 2 * lag >= _D
    head = lag
    mid = ((nchunk - head - lag) // _D) * _D
    assert mid > 0

    mesh = plsc.VectorSubcoreMesh(core_axis_name="c", subcore_axis_name="s")

    @functools.partial(
        pl.kernel,
        out_type=jax.ShapeDtypeStruct((num_idx, embed), jnp.float32),
        mesh=mesh,
        scratch_types=[
            pltpu.VMEM((per_w,), jnp.int32),
        ]
        + [pltpu.VMEM((_G, embed), jnp.float32) for _ in range(_D)]
        + [pltpu.SemaphoreType.DMA for _ in range(2 * _D)],
    )
    def gather_kernel(idx_hbm, table_hbm, out_hbm, idx_v, *rest):
        bufs = rest[:_D]
        gsem = rest[_D : 2 * _D]
        ssem = rest[2 * _D :]

        wid = lax.axis_index("s") * nc + lax.axis_index("c")
        pltpu.sync_copy(idx_hbm.at[pl.ds(wid * per_w, per_w)], idx_v)
        obase = wid * _G

        def gather(c, b):
            pltpu.async_copy(
                table_hbm.at[idx_v.at[pl.ds(c * _G, _G)]], bufs[b], gsem[b]
            )

        def store(c, b):
            pltpu.async_copy(
                bufs[b], out_hbm.at[pl.ds(c * batch + obase, _G)], ssem[b]
            )

        def wait_gather(b):
            pltpu.make_async_copy(
                out_hbm.at[pl.ds(obase, _G)], bufs[b], gsem[b]
            ).wait()

        def wait_store(b):
            pltpu.make_async_copy(
                bufs[b], out_hbm.at[pl.ds(obase, _G)], ssem[b]
            ).wait()

        def body(c, bc, with_gather, with_wait_store):
            if with_gather:
                bg = (bc + lag) % _D
                if with_wait_store:
                    wait_store(bg)
                gather(c + lag, bg)
            wait_gather(bc)
            store(c, bc)

        for c in range(lag):
            gather(c, c % _D)
        for c in range(head):
            body(c, c % _D, True, c + lag >= _D)

        @pl.loop(head, head + mid, step=_D)
        def _(g):
            for j in range(_D):
                body(g + j, (head + j) % _D, True, True)

        for c in range(head + mid, nchunk):
            if c + lag < nchunk:
                body(c, c % _D, True, True)
            else:
                body(c, c % _D, False, False)
        for b in range(_D):
            wait_store(b)

    return gather_kernel


def kernel(data, ivectors):
    b, t = data.shape
    vocab, embed = ivectors.shape
    nw = 32
    idx = (
        data.astype(jnp.int32)
        .reshape(nw, b // nw, t)
        .transpose(0, 2, 1)
        .reshape(-1)
    )
    out = _build(b, t, vocab, embed)(idx, ivectors)
    return out.reshape(t, b, embed).transpose(1, 0, 2)

# --- scband reference (transcript-rebuilt; emitter-appended) ---
"""Pipeline reference for scband-word2-vec-1829656068585 (READ-ONLY COPY).

The authoritative reference and input builder live on the scoring server;
editing this copy changes nothing except your own understanding.
"""

import jax, jax.numpy as jnp
import numpy as np

VOCAB = 100000
EMBED = 128

def setup_inputs(seed: int = 0) -> dict:
    key = jax.random.key(seed)
    k1, k2 = jax.random.split(key)
    data = jax.random.randint(k1, (4096, 50), 0, VOCAB, dtype=jnp.int64 if jax.config.jax_enable_x64 else jnp.int32)
    # ivectors weight: row 0 zeros (padding), rest uniform(-0.5/E, 0.5/E)
    body = jax.random.uniform(k2, (VOCAB - 1, EMBED), minval=-0.5 / EMBED, maxval=0.5 / EMBED, dtype=jnp.float32)
    ivectors = jnp.concatenate([jnp.zeros((1, EMBED), dtype=jnp.float32), body], axis=0)
    return {"data": data, "ivectors": ivectors}

def reference(data, ivectors):
    # Word2Vec.forward -> forward_i: embedding lookup into input vectors
    return jnp.take(ivectors, data, axis=0)

if __name__ == "__main__":
    import jax
    _d = setup_inputs()
    print(jax.jit(kernel)(*tuple(_d.values())))

</pallas_src>

<mosaic_0001>
#map = affine_map<(d0, d1) -> (0)>
#map1 = affine_map<(d0, d1) -> (0, 0)>
module attributes {stable_mosaic.version = 14 : i64} {
  func.func @gather_kernel(%arg0: i32, %arg1: i32, %arg2: memref<204800xi32, #tpu.memory_space<hbm>>, %arg3: memref<100000x128xf32, #tpu.memory_space<hbm>>, %arg4: memref<204800x128xf32, #tpu.memory_space<hbm>>, %arg5: memref<6400xi32, #tpu.memory_space<vmem>>, %arg6: memref<128x128xf32, #tpu.memory_space<vmem>>, %arg7: memref<128x128xf32, #tpu.memory_space<vmem>>, %arg8: memref<128x128xf32, #tpu.memory_space<vmem>>, %arg9: memref<128x128xf32, #tpu.memory_space<vmem>>, %arg10: memref<128x128xf32, #tpu.memory_space<vmem>>, %arg11: memref<128x128xf32, #tpu.memory_space<vmem>>, %arg12: memref<128x128xf32, #tpu.memory_space<vmem>>, %arg13: memref<!tpu.dma_semaphore, #tpu.memory_space<semaphore_mem>>, %arg14: memref<!tpu.dma_semaphore, #tpu.memory_space<semaphore_mem>>, %arg15: memref<!tpu.dma_semaphore, #tpu.memory_space<semaphore_mem>>, %arg16: memref<!tpu.dma_semaphore, #tpu.memory_space<semaphore_mem>>, %arg17: memref<!tpu.dma_semaphore, #tpu.memory_space<semaphore_mem>>, %arg18: memref<!tpu.dma_semaphore, #tpu.memory_space<semaphore_mem>>, %arg19: memref<!tpu.dma_semaphore, #tpu.memory_space<semaphore_mem>>, %arg20: memref<!tpu.dma_semaphore, #tpu.memory_space<semaphore_mem>>, %arg21: memref<!tpu.dma_semaphore, #tpu.memory_space<semaphore_mem>>, %arg22: memref<!tpu.dma_semaphore, #tpu.memory_space<semaphore_mem>>, %arg23: memref<!tpu.dma_semaphore, #tpu.memory_space<semaphore_mem>>, %arg24: memref<!tpu.dma_semaphore, #tpu.memory_space<semaphore_mem>>, %arg25: memref<!tpu.dma_semaphore, #tpu.memory_space<semaphore_mem>>, %arg26: memref<!tpu.dma_semaphore, #tpu.memory_space<semaphore_mem>>) attributes {dimension_semantics = [#tpu.dimension_semantics<core_parallel>, #tpu.dimension_semantics<subcore_parallel>], iteration_bounds = array<i64: 2, 16>, scalar_prefetch = 0 : i64, scratch_operands = 22 : i64, tpu.core_type = #tpu.core_type<sc_vector_subcore>, window_params = [{transform_indices = #map}, {transform_indices = #map1}, {transform_indices = #map1}]} {
    %mul3A = arith.constant 2 : i32
    %mul3A_0 = arith.muli %arg1, %mul3A : i32
    %add3A = arith.addi %mul3A_0, %arg0 : i32
    %mul3A_1 = arith.constant 6400 : i32
    %mul3A_2 = arith.muli %add3A, %mul3A_1 : i32
    "tpu.region"() ({
      %run_scoped3A = tpu.sem_alloc : memref<!tpu.dma_semaphore, #tpu.memory_space<semaphore_mem>>
      %dma_start3A_159 = tpu.memref_slice %arg2[%mul3A_2] : memref<204800xi32, #tpu.memory_space<hbm>> -> memref<6400xi32, #tpu.memory_space<hbm>>
      %dma_start3A_160 = tpu.memref_slice %arg2[%mul3A_2] : memref<204800xi32, #tpu.memory_space<hbm>> -> memref<6400xi32, #tpu.memory_space<hbm>>
      tpu.enqueue_dma source(%dma_start3A_160 : memref<6400xi32, #tpu.memory_space<hbm>>) target(%arg5 : memref<6400xi32, #tpu.memory_space<vmem>>) target_semaphore(%run_scoped3A : memref<!tpu.dma_semaphore, #tpu.memory_space<semaphore_mem>>)
      %dma_wait3A_161 = tpu.memref_slice %arg2[%mul3A_2] : memref<204800xi32, #tpu.memory_space<hbm>> -> memref<6400xi32, #tpu.memory_space<hbm>>
      %dma_wait3A_162 = tpu.memref_slice %arg2[%mul3A_2] : memref<204800xi32, #tpu.memory_space<hbm>> -> memref<6400xi32, #tpu.memory_space<hbm>>
      tpu.wait_dma2 semaphore(%run_scoped3A : memref<!tpu.dma_semaphore, #tpu.memory_space<semaphore_mem>>) src(%dma_wait3A_162 : memref<6400xi32, #tpu.memory_space<hbm>>) dst(%arg5 : memref<6400xi32, #tpu.memory_space<vmem>>)
      tpu.yield
    }) : () -> ()
    %mul3A_3 = arith.constant 128 : i32
    %mul3A_4 = arith.muli %add3A, %mul3A_3 : i32
    %dma_start3A = arith.constant 0 : i32
    %dma_start3A_5 = tpu.memref_slice %arg5[%dma_start3A] : memref<6400xi32, #tpu.memory_space<vmem>> -> memref<128xi32, #tpu.memory_space<vmem>>
    %dma_start3A_6 = arith.constant 0 : i32
    %dma_start3A_7 = arith.constant 0 : i32
    %dma_start3A_8 = tpu.memref_slice %arg3[%dma_start3A_6, %dma_start3A_7] : memref<100000x128xf32, #tpu.memory_space<hbm>> -> memref<100000x128xf32, #tpu.memory_space<hbm>>
    tpu.enqueue_indirect_dma source(%dma_start3A_8 : memref<100000x128xf32, #tpu.memory_space<hbm>>) target(%arg6 : memref<128x128xf32, #tpu.memory_space<vmem>>) offsets(%dma_start3A_5 : memref<128xi32, #tpu.memory_space<vmem>>) semaphore(%arg13 : memref<!tpu.dma_semaphore, #tpu.memory_space<semaphore_mem>>)
    %dma_start3A_9 = arith.constant 128 : i32
    %dma_start3A_10 = tpu.memref_slice %arg5[%dma_start3A_9] : memref<6400xi32, #tpu.memory_space<vmem>> -> memref<128xi32, #tpu.memory_space<vmem>>
    %dma_start3A_11 = arith.constant 0 : i32
    %dma_start3A_12 = arith.constant 0 : i32
    %dma_start3A_13 = tpu.memref_slice %arg3[%dma_start3A_11, %dma_start3A_12] : memref<100000x128xf32, #tpu.memory_space<hbm>> -> memref<100000x128xf32, #tpu.memory_space<hbm>>
    tpu.enqueue_indirect_dma source(%dma_start3A_13 : memref<100000x128xf32, #tpu.memory_space<hbm>>) target(%arg7 : memref<128x128xf32, #tpu.memory_space<vmem>>) offsets(%dma_start3A_10 : memref<128xi32, #tpu.memory_space<vmem>>) semaphore(%arg14 : memref<!tpu.dma_semaphore, #tpu.memory_space<semaphore_mem>>)
    %dma_start3A_14 = arith.constant 256 : i32
    %dma_start3A_15 = tpu.memref_slice %arg5[%dma_start3A_14] : memref<6400xi32, #tpu.memory_space<vmem>> -> memref<128xi32, #tpu.memory_space<vmem>>
    %dma_start3A_16 = arith.constant 0 : i32
    %dma_start3A_17 = arith.constant 0 : i32
    %dma_start3A_18 = tpu.memref_slice %arg3[%dma_start3A_16, %dma_start3A_17] : memref<100000x128xf32, #tpu.memory_space<hbm>> -> memref<100000x128xf32, #tpu.memory_space<hbm>>
    tpu.enqueue_indirect_dma source(%dma_start3A_18 : memref<100000x128xf32, #tpu.memory_space<hbm>>) target(%arg8 : memref<128x128xf32, #tpu.memory_space<vmem>>) offsets(%dma_start3A_15 : memref<128xi32, #tpu.memory_space<vmem>>) semaphore(%arg15 : memref<!tpu.dma_semaphore, #tpu.memory_space<semaphore_mem>>)
    %dma_start3A_19 = arith.constant 384 : i32
    %dma_start3A_20 = tpu.memref_slice %arg5[%dma_start3A_19] : memref<6400xi32, #tpu.memory_space<vmem>> -> memref<128xi32, #tpu.memory_space<vmem>>
    %dma_start3A_21 = arith.constant 0 : i32
    %dma_start3A_22 = arith.constant 0 : i32
    %dma_start3A_23 = tpu.memref_slice %arg3[%dma_start3A_21, %dma_start3A_22] : memref<100000x128xf32, #tpu.memory_space<hbm>> -> memref<100000x128xf32, #tpu.memory_space<hbm>>
    tpu.enqueue_indirect_dma source(%dma_start3A_23 : memref<100000x128xf32, #tpu.memory_space<hbm>>) target(%arg9 : memref<128x128xf32, #tpu.memory_space<vmem>>) offsets(%dma_start3A_20 : memref<128xi32, #tpu.memory_space<vmem>>) semaphore(%arg16 : memref<!tpu.dma_semaphore, #tpu.memory_space<semaphore_mem>>)
    %dma_start3A_24 = arith.constant 512 : i32
    %dma_start3A_25 = tpu.memref_slice %arg5[%dma_start3A_24] : memref<6400xi32, #tpu.memory_space<vmem>> -> memref<128xi32, #tpu.memory_space<vmem>>
    %dma_start3A_26 = arith.constant 0 : i32
    %dma_start3A_27 = arith.constant 0 : i32
    %dma_start3A_28 = tpu.memref_slice %arg3[%dma_start3A_26, %dma_start3A_27] : memref<100000x128xf32, #tpu.memory_space<hbm>> -> memref<100000x128xf32, #tpu.memory_space<hbm>>
    tpu.enqueue_indirect_dma source(%dma_start3A_28 : memref<100000x128xf32, #tpu.memory_space<hbm>>) target(%arg10 : memref<128x128xf32, #tpu.memory_space<vmem>>) offsets(%dma_start3A_25 : memref<128xi32, #tpu.memory_space<vmem>>) semaphore(%arg17 : memref<!tpu.dma_semaphore, #tpu.memory_space<semaphore_mem>>)
    %dma_wait3A = arith.constant 0 : i32
    %dma_wait3A_29 = tpu.memref_slice %arg4[%mul3A_4, %dma_wait3A] : memref<204800x128xf32, #tpu.memory_space<hbm>> -> memref<128x128xf32, #tpu.memory_space<hbm>>
    %dma_wait3A_30 = arith.constant 0 : i32
    %dma_wait3A_31 = tpu.memref_slice %arg4[%mul3A_4, %dma_wait3A_30] : memref<204800x128xf32, #tpu.memory_space<hbm>> -> memref<128x128xf32, #tpu.memory_space<hbm>>
    tpu.wait_dma2 semaphore(%arg13 : memref<!tpu.dma_semaphore, #tpu.memory_space<semaphore_mem>>) src(%dma_wait3A_31 : memref<128x128xf32, #tpu.memory_space<hbm>>) dst(%arg6 : memref<128x128xf32, #tpu.memory_space<vmem>>)
    %add3A_32 = arith.constant 0 : i32
    %add3A_33 = arith.addi %add3A_32, %mul3A_4 : i32
    %dma_start3A_34 = arith.constant 0 : i32
    %dma_start3A_35 = tpu.memref_slice %arg4[%add3A_33, %dma_start3A_34] : memref<204800x128xf32, #tpu.memory_space<hbm>> -> memref<128x128xf32, #tpu.memory_space<hbm>>
    %dma_start3A_36 = arith.constant 0 : i32
    %dma_start3A_37 = tpu.memref_slice %arg4[%add3A_33, %dma_start3A_36] : memref<204800x128xf32, #tpu.memory_space<hbm>> -> memref<128x128xf32, #tpu.memory_space<hbm>>
    tpu.enqueue_dma source(%arg6 : memref<128x128xf32, #tpu.memory_space<vmem>>) target(%dma_start3A_37 : memref<128x128xf32, #tpu.memory_space<hbm>>) target_semaphore(%arg20 : memref<!tpu.dma_semaphore, #tpu.memory_space<semaphore_mem>>)
    %dma_start3A_38 = arith.constant 640 : i32
    %dma_start3A_39 = tpu.memref_slice %arg5[%dma_start3A_38] : memref<6400xi32, #tpu.memory_space<vmem>> -> memref<128xi32, #tpu.memory_space<vmem>>
    %dma_start3A_40 = arith.constant 0 : i32
    %dma_start3A_41 = arith.constant 0 : i32
    %dma_start3A_42 = tpu.memref_slice %arg3[%dma_start3A_40, %dma_start3A_41] : memref<100000x128xf32, #tpu.memory_space<hbm>> -> memref<100000x128xf32, #tpu.memory_space<hbm>>
    tpu.enqueue_indirect_dma source(%dma_start3A_42 : memref<100000x128xf32, #tpu.memory_space<hbm>>) target(%arg11 : memref<128x128xf32, #tpu.memory_space<vmem>>) offsets(%dma_start3A_39 : memref<128xi32, #tpu.memory_space<vmem>>) semaphore(%arg18 : memref<!tpu.dma_semaphore, #tpu.memory_space<semaphore_mem>>)
    %dma_wait3A_43 = arith.constant 0 : i32
    %dma_wait3A_44 = tpu.memref_slice %arg4[%mul3A_4, %dma_wait3A_43] : memref<204800x128xf32, #tpu.memory_space<hbm>> -> memref<128x128xf32, #tpu.memory_space<hbm>>
    %dma_wait3A_45 = arith.constant 0 : i32
    %dma_wait3A_46 = tpu.memref_slice %arg4[%mul3A_4, %dma_wait3A_45] : memref<204800x128xf32, #tpu.memory_space<hbm>> -> memref<128x128xf32, #tpu.memory_space<hbm>>
    tpu.wait_dma2 semaphore(%arg14 : memref<!tpu.dma_semaphore, #tpu.memory_space<semaphore_mem>>) src(%dma_wait3A_46 : memref<128x128xf32, #tpu.memory_space<hbm>>) dst(%arg7 : memref<128x128xf32, #tpu.memory_space<vmem>>)
    %add3A_47 = arith.constant 4096 : i32
    %add3A_48 = arith.addi %add3A_47, %mul3A_4 : i32
    %dma_start3A_49 = arith.constant 0 : i32
    %dma_start3A_50 = tpu.memref_slice %arg4[%add3A_48, %dma_start3A_49] : memref<204800x128xf32, #tpu.memory_space<hbm>> -> memref<128x128xf32, #tpu.memory_space<hbm>>
    %dma_start3A_51 = arith.constant 0 : i32
    %dma_start3A_52 = tpu.memref_slice %arg4[%add3A_48, %dma_start3A_51] : memref<204800x128xf32, #tpu.memory_space<hbm>> -> memref<128x128xf32, #tpu.memory_space<hbm>>
    tpu.enqueue_dma source(%arg7 : memref<128x128xf32, #tpu.memory_space<vmem>>) target(%dma_start3A_52 : memref<128x128xf32, #tpu.memory_space<hbm>>) target_semaphore(%arg21 : memref<!tpu.dma_semaphore, #tpu.memory_space<semaphore_mem>>)
    %dma_start3A_53 = arith.constant 768 : i32
    %dma_start3A_54 = tpu.memref_slice %arg5[%dma_start3A_53] : memref<6400xi32, #tpu.memory_space<vmem>> -> memref<128xi32, #tpu.memory_space<vmem>>
    %dma_start3A_55 = arith.constant 0 : i32
    %dma_start3A_56 = arith.constant 0 : i32
    %dma_start3A_57 = tpu.memref_slice %arg3[%dma_start3A_55, %dma_start3A_56] : memref<100000x128xf32, #tpu.memory_space<hbm>> -> memref<100000x128xf32, #tpu.memory_space<hbm>>
    tpu.enqueue_indirect_dma source(%dma_start3A_57 : memref<100000x128xf32, #tpu.memory_space<hbm>>) target(%arg12 : memref<128x128xf32, #tpu.memory_space<vmem>>) offsets(%dma_start3A_54 : memref<128xi32, #tpu.memory_space<vmem>>) semaphore(%arg19 : memref<!tpu.dma_semaphore, #tpu.memory_space<semaphore_mem>>)
    %dma_wait3A_58 = arith.constant 0 : i32
    %dma_wait3A_59 = tpu.memref_slice %arg4[%mul3A_4, %dma_wait3A_58] : memref<204800x128xf32, #tpu.memory_space<hbm>> -> memref<128x128xf32, #tpu.memory_space<hbm>>
    %dma_wait3A_60 = arith.constant 0 : i32
    %dma_wait3A_61 = tpu.memref_slice %arg4[%mul3A_4, %dma_wait3A_60] : memref<204800x128xf32, #tpu.memory_space<hbm>> -> memref<128x128xf32, #tpu.memory_space<hbm>>
    tpu.wait_dma2 semaphore(%arg15 : memref<!tpu.dma_semaphore, #tpu.memory_space<semaphore_mem>>) src(%dma_wait3A_61 : memref<128x128xf32, #tpu.memory_space<hbm>>) dst(%arg8 : memref<128x128xf32, #tpu.memory_space<vmem>>)
    %add3A_62 = arith.constant 8192 : i32
    %add3A_63 = arith.addi %add3A_62, %mul3A_4 : i32
    %dma_start3A_64 = arith.constant 0 : i32
    %dma_start3A_65 = tpu.memref_slice %arg4[%add3A_63, %dma_start3A_64] : memref<204800x128xf32, #tpu.memory_space<hbm>> -> memref<128x128xf32, #tpu.memory_space<hbm>>
    %dma_start3A_66 = arith.constant 0 : i32
    %dma_start3A_67 = tpu.memref_slice %arg4[%add3A_63, %dma_start3A_66] : memref<204800x128xf32, #tpu.memory_space<hbm>> -> memref<128x128xf32, #tpu.memory_space<hbm>>
    tpu.enqueue_dma source(%arg8 : memref<128x128xf32, #tpu.memory_space<vmem>>) target(%dma_start3A_67 : memref<128x128xf32, #tpu.memory_space<hbm>>) target_semaphore(%arg22 : memref<!tpu.dma_semaphore, #tpu.memory_space<semaphore_mem>>)
    %dma_wait3A_68 = arith.constant 0 : i32
    %dma_wait3A_69 = tpu.memref_slice %arg4[%mul3A_4, %dma_wait3A_68] : memref<204800x128xf32, #tpu.memory_space<hbm>> -> memref<128x128xf32, #tpu.memory_space<hbm>>
    %dma_wait3A_70 = arith.constant 0 : i32
    %dma_wait3A_71 = tpu.memref_slice %arg4[%mul3A_4, %dma_wait3A_70] : memref<204800x128xf32, #tpu.memory_space<hbm>> -> memref<128x128xf32, #tpu.memory_space<hbm>>
    tpu.wait_dma2 semaphore(%arg20 : memref<!tpu.dma_semaphore, #tpu.memory_space<semaphore_mem>>) src(%arg6 : memref<128x128xf32, #tpu.memory_space<vmem>>) dst(%dma_wait3A_71 : memref<128x128xf32, #tpu.memory_space<hbm>>)
    %dma_start3A_72 = arith.constant 896 : i32
    %dma_start3A_73 = tpu.memref_slice %arg5[%dma_start3A_72] : memref<6400xi32, #tpu.memory_space<vmem>> -> memref<128xi32, #tpu.memory_space<vmem>>
    %dma_start3A_74 = arith.constant 0 : i32
    %dma_start3A_75 = arith.constant 0 : i32
    %dma_start3A_76 = tpu.memref_slice %arg3[%dma_start3A_74, %dma_start3A_75] : memref<100000x128xf32, #tpu.memory_space<hbm>> -> memref<100000x128xf32, #tpu.memory_space<hbm>>
    tpu.enqueue_indirect_dma source(%dma_start3A_76 : memref<100000x128xf32, #tpu.memory_space<hbm>>) target(%arg6 : memref<128x128xf32, #tpu.memory_space<vmem>>) offsets(%dma_start3A_73 : memref<128xi32, #tpu.memory_space<vmem>>) semaphore(%arg13 : memref<!tpu.dma_semaphore, #tpu.memory_space<semaphore_mem>>)
    %dma_wait3A_77 = arith.constant 0 : i32
    %dma_wait3A_78 = tpu.memref_slice %arg4[%mul3A_4, %dma_wait3A_77] : memref<204800x128xf32, #tpu.memory_space<hbm>> -> memref<128x128xf32, #tpu.memory_space<hbm>>
    %dma_wait3A_79 = arith.constant 0 : i32
    %dma_wait3A_80 = tpu.memref_slice %arg4[%mul3A_4, %dma_wait3A_79] : memref<204800x128xf32, #tpu.memory_space<hbm>> -> memref<128x128xf32, #tpu.memory_space<hbm>>
    tpu.wait_dma2 semaphore(%arg16 : memref<!tpu.dma_semaphore, #tpu.memory_space<semaphore_mem>>) src(%dma_wait3A_80 : memref<128x128xf32, #tpu.memory_space<hbm>>) dst(%arg9 : memref<128x128xf32, #tpu.memory_space<vmem>>)
    %add3A_81 = arith.constant 12288 : i32
    %add3A_82 = arith.addi %add3A_81, %mul3A_4 : i32
    %dma_start3A_83 = arith.constant 0 : i32
    %dma_start3A_84 = tpu.memref_slice %arg4[%add3A_82, %dma_start3A_83] : memref<204800x128xf32, #tpu.memory_space<hbm>> -> memref<128x128xf32, #tpu.memory_space<hbm>>
    %dma_start3A_85 = arith.constant 0 : i32
    %dma_start3A_86 = tpu.memref_slice %arg4[%add3A_82, %dma_start3A_85] : memref<204800x128xf32, #tpu.memory_space<hbm>> -> memref<128x128xf32, #tpu.memory_space<hbm>>
    tpu.enqueue_dma source(%arg9 : memref<128x128xf32, #tpu.memory_space<vmem>>) target(%dma_start3A_86 : memref<128x128xf32, #tpu.memory_space<hbm>>) target_semaphore(%arg23 : memref<!tpu.dma_semaphore, #tpu.memory_space<semaphore_mem>>)
    %scan3A = arith.constant 0 : i32
    %scan3A_87 = arith.constant 6 : i32
    %scan3A_88 = arith.addi %scan3A, %scan3A_87 : i32
    %scan3A_89 = arith.constant 1 : i32
    scf.for %scan3A_159 = %scan3A to %scan3A_88 step %scan3A_89  : i32 {
      %mul3A_160 = arith.constant 7 : i32
      %mul3A_161 = arith.muli %scan3A_159, %mul3A_160 : i32
      %add3A_162 = arith.constant 4 : i32
      %add3A_163 = arith.addi %add3A_162, %mul3A_161 : i32
      %add3A_164 = arith.constant 0 : i32
      %add3A_165 = arith.addi %add3A_163, %add3A_164 : i32
      %dma_wait3A_166 = arith.constant 0 : i32
      %dma_wait3A_167 = tpu.memref_slice %arg4[%mul3A_4, %dma_wait3A_166] : memref<204800x128xf32, #tpu.memory_space<hbm>> -> memref<128x128xf32, #tpu.memory_space<hbm>>
      %dma_wait3A_168 = arith.constant 0 : i32
      %dma_wait3A_169 = tpu.memref_slice %arg4[%mul3A_4, %dma_wait3A_168] : memref<204800x128xf32, #tpu.memory_space<hbm>> -> memref<128x128xf32, #tpu.memory_space<hbm>>
      tpu.wait_dma2 semaphore(%arg21 : memref<!tpu.dma_semaphore, #tpu.memory_space<semaphore_mem>>) src(%arg7 : memref<128x128xf32, #tpu.memory_space<vmem>>) dst(%dma_wait3A_169 : memref<128x128xf32, #tpu.memory_space<hbm>>)
      %add3A_170 = arith.constant 4 : i32
      %add3A_171 = arith.addi %add3A_165, %add3A_170 : i32
      %mul3A_172 = arith.constant 128 : i32
      %mul3A_173 = arith.muli %add3A_171, %mul3A_172 : i32
      %dma_start3A_174 = tpu.memref_slice %arg5[%mul3A_173] : memref<6400xi32, #tpu.memory_space<vmem>> -> memref<128xi32, #tpu.memory_space<vmem>>
      %dma_start3A_175 = arith.constant 0 : i32
      %dma_start3A_176 = arith.constant 0 : i32
      %dma_start3A_177 = tpu.memref_slice %arg3[%dma_start3A_175, %dma_start3A_176] : memref<100000x128xf32, #tpu.memory_space<hbm>> -> memref<100000x128xf32, #tpu.memory_space<hbm>>
      tpu.enqueue_indirect_dma source(%dma_start3A_177 : memref<100000x128xf32, #tpu.memory_space<hbm>>) target(%arg7 : memref<128x128xf32, #tpu.memory_space<vmem>>) offsets(%dma_start3A_174 : memref<128xi32, #tpu.memory_space<vmem>>) semaphore(%arg14 : memref<!tpu.dma_semaphore, #tpu.memory_space<semaphore_mem>>)
      %dma_wait3A_178 = arith.constant 0 : i32
      %dma_wait3A_179 = tpu.memref_slice %arg4[%mul3A_4, %dma_wait3A_178] : memref<204800x128xf32, #tpu.memory_space<hbm>> -> memref<128x128xf32, #tpu.memory_space<hbm>>
      %dma_wait3A_180 = arith.constant 0 : i32
      %dma_wait3A_181 = tpu.memref_slice %arg4[%mul3A_4, %dma_wait3A_180] : memref<204800x128xf32, #tpu.memory_space<hbm>> -> memref<128x128xf32, #tpu.memory_space<hbm>>
      tpu.wait_dma2 semaphore(%arg17 : memref<!tpu.dma_semaphore, #tpu.memory_space<semaphore_mem>>) src(%dma_wait3A_181 : memref<128x128xf32, #tpu.memory_space<hbm>>) dst(%arg10 : memref<128x128xf32, #tpu.memory_space<vmem>>)
      %mul3A_182 = arith.constant 4096 : i32
      %mul3A_183 = arith.muli %add3A_165, %mul3A_182 : i32
      %add3A_184 = arith.addi %mul3A_183, %mul3A_4 : i32
      %dma_start3A_185 = arith.constant 0 : i32
      %dma_start3A_186 = tpu.memref_slice %arg4[%add3A_184, %dma_start3A_185] : memref<204800x128xf32, #tpu.memory_space<hbm>> -> memref<128x128xf32, #tpu.memory_space<hbm>>
      %dma_start3A_187 = arith.constant 0 : i32
      %dma_start3A_188 = tpu.memref_slice %arg4[%add3A_184, %dma_start3A_187] : memref<204800x128xf32, #tpu.memory_space<hbm>> -> memref<128x128xf32, #tpu.memory_space<hbm>>
      tpu.enqueue_dma source(%arg10 : memref<128x128xf32, #tpu.memory_space<vmem>>) target(%dma_start3A_188 : memref<128x128xf32, #tpu.memory_space<hbm>>) target_semaphore(%arg24 : memref<!tpu.dma_semaphore, #tpu.memory_space<semaphore_mem>>)
      %add3A_189 = arith.constant 1 : i32
      %add3A_190 = arith.addi %add3A_163, %add3A_189 : i32
      %dma_wait3A_191 = arith.constant 0 : i32
      %dma_wait3A_192 = tpu.memref_slice %arg4[%mul3A_4, %dma_wait3A_191] : memref<204800x128xf32, #tpu.memory_space<hbm>> -> memref<128x128xf32, #tpu.memory_space<hbm>>
      %dma_wait3A_193 = arith.constant 0 : i32
      %dma_wait3A_194 = tpu.memref_slice %arg4[%mul3A_4, %dma_wait3A_193] : memref<204800x128xf32, #tpu.memory_space<hbm>> -> memref<128x128xf32, #tpu.memory_space<hbm>>
      tpu.wait_dma2 semaphore(%arg22 : memref<!tpu.dma_semaphore, #tpu.memory_space<semaphore_mem>>) src(%arg8 : memref<128x128xf32, #tpu.memory_space<vmem>>) dst(%dma_wait3A_194 : memref<128x128xf32, #tpu.memory_space<hbm>>)
      %add3A_195 = arith.constant 4 : i32
      %add3A_196 = arith.addi %add3A_190, %add3A_195 : i32
      %mul3A_197 = arith.constant 128 : i32
      %mul3A_198 = arith.muli %add3A_196, %mul3A_197 : i32
      %dma_start3A_199 = tpu.memref_slice %arg5[%mul3A_198] : memref<6400xi32, #tpu.memory_space<vmem>> -> memref<128xi32, #tpu.memory_space<vmem>>
      %dma_start3A_200 = arith.constant 0 : i32
      %dma_start3A_201 = arith.constant 0 : i32
      %dma_start3A_202 = tpu.memref_slice %arg3[%dma_start3A_200, %dma_start3A_201] : memref<100000x128xf32, #tpu.memory_space<hbm>> -> memref<100000x128xf32, #tpu.memory_space<hbm>>
      tpu.enqueue_indirect_dma source(%dma_start3A_202 : memref<100000x128xf32, #tpu.memory_space<hbm>>) target(%arg8 : memref<128x128xf32, #tpu.memory_space<vmem>>) offsets(%dma_start3A_199 : memref<128xi32, #tpu.memory_space<vmem>>) semaphore(%arg15 : memref<!tpu.dma_semaphore, #tpu.memory_space<semaphore_mem>>)
      %dma_wait3A_203 = arith.constant 0 : i32
      %dma_wait3A_204 = tpu.memref_slice %arg4[%mul3A_4, %dma_wait3A_203] : memref<204800x128xf32, #tpu.memory_space<hbm>> -> memref<128x128xf32, #tpu.memory_space<hbm>>
      %dma_wait3A_205 = arith.constant 0 : i32
      %dma_wait3A_206 = tpu.memref_slice %arg4[%mul3A_4, %dma_wait3A_205] : memref<204800x128xf32, #tpu.memory_space<hbm>> -> memref<128x128xf32, #tpu.memory_space<hbm>>
      tpu.wait_dma2 semaphore(%arg18 : memref<!tpu.dma_semaphore, #tpu.memory_space<semaphore_mem>>) src(%dma_wait3A_206 : memref<128x128xf32, #tpu.memory_space<hbm>>) dst(%arg11 : memref<128x128xf32, #tpu.memory_space<vmem>>)
      %mul3A_207 = arith.constant 4096 : i32
      %mul3A_208 = arith.muli %add3A_190, %mul3A_207 : i32
      %add3A_209 = arith.addi %mul3A_208, %mul3A_4 : i32
      %dma_start3A_210 = arith.constant 0 : i32
      %dma_start3A_211 = tpu.memref_slice %arg4[%add3A_209, %dma_start3A_210] : memref<204800x128xf32, #tpu.memory_space<hbm>> -> memref<128x128xf32, #tpu.memory_space<hbm>>
      %dma_start3A_212 = arith.constant 0 : i32
      %dma_start3A_213 = tpu.memref_slice %arg4[%add3A_209, %dma_start3A_212] : memref<204800x128xf32, #tpu.memory_space<hbm>> -> memref<128x128xf32, #tpu.memory_space<hbm>>
      tpu.enqueue_dma source(%arg11 : memref<128x128xf32, #tpu.memory_space<vmem>>) target(%dma_start3A_213 : memref<128x128xf32, #tpu.memory_space<hbm>>) target_semaphore(%arg25 : memref<!tpu.dma_semaphore, #tpu.memory_space<semaphore_mem>>)
      %add3A_214 = arith.constant 2 : i32
      %add3A_215 = arith.addi %add3A_163, %add3A_214 : i32
      %dma_wait3A_216 = arith.constant 0 : i32
      %dma_wait3A_217 = tpu.memref_slice %arg4[%mul3A_4, %dma_wait3A_216] : memref<204800x128xf32, #tpu.memory_space<hbm>> -> memref<128x128xf32, #tpu.memory_space<hbm>>
      %dma_wait3A_218 = arith.constant 0 : i32
      %dma_wait3A_219 = tpu.memref_slice %arg4[%mul3A_4, %dma_wait3A_218] : memref<204800x128xf32, #tpu.memory_space<hbm>> -> memref<128x128xf32, #tpu.memory_space<hbm>>
      tpu.wait_dma2 semaphore(%arg23 : memref<!tpu.dma_semaphore, #tpu.memory_space<semaphore_mem>>) src(%arg9 : memref<128x128xf32, #tpu.memory_space<vmem>>) dst(%dma_wait3A_219 : memref<128x128xf32, #tpu.memory_space<hbm>>)
      %add3A_220 = arith.constant 4 : i32
      %add3A_221 = arith.addi %add3A_215, %add3A_220 : i32
      %mul3A_222 = arith.constant 128 : i32
      %mul3A_223 = arith.muli %add3A_221, %mul3A_222 : i32
      %dma_start3A_224 = tpu.memref_slice %arg5[%mul3A_223] : memref<6400xi32, #tpu.memory_space<vmem>> -> memref<128xi32, #tpu.memory_space<vmem>>
      %dma_start3A_225 = arith.constant 0 : i32
      %dma_start3A_226 = arith.constant 0 : i32
      %dma_start3A_227 = tpu.memref_slice %arg3[%dma_start3A_225, %dma_start3A_226] : memref<100000x128xf32, #tpu.memory_space<hbm>> -> memref<100000x128xf32, #tpu.memory_space<hbm>>
      tpu.enqueue_indirect_dma source(%dma_start3A_227 : memref<100000x128xf32, #tpu.memory_space<hbm>>) target(%arg9 : memref<128x128xf32, #tpu.memory_space<vmem>>) offsets(%dma_start3A_224 : memref<128xi32, #tpu.memory_space<vmem>>) semaphore(%arg16 : memref<!tpu.dma_semaphore, #tpu.memory_space<semaphore_mem>>)
      %dma_wait3A_228 = arith.constant 0 : i32
      %dma_wait3A_229 = tpu.memref_slice %arg4[%mul3A_4, %dma_wait3A_228] : memref<204800x128xf32, #tpu.memory_space<hbm>> -> memref<128x128xf32, #tpu.memory_space<hbm>>
      %dma_wait3A_230 = arith.constant 0 : i32
      %dma_wait3A_231 = tpu.memref_slice %arg4[%mul3A_4, %dma_wait3A_230] : memref<204800x128xf32, #tpu.memory_space<hbm>> -> memref<128x128xf32, #tpu.memory_space<hbm>>
      tpu.wait_dma2 semaphore(%arg19 : memref<!tpu.dma_semaphore, #tpu.memory_space<semaphore_mem>>) src(%dma_wait3A_231 : memref<128x128xf32, #tpu.memory_space<hbm>>) dst(%arg12 : memref<128x128xf32, #tpu.memory_space<vmem>>)
      %mul3A_232 = arith.constant 4096 : i32
      %mul3A_233 = arith.muli %add3A_215, %mul3A_232 : i32
      %add3A_234 = arith.addi %mul3A_233, %mul3A_4 : i32
      %dma_start3A_235 = arith.constant 0 : i32
      %dma_start3A_236 = tpu.memref_slice %arg4[%add3A_234, %dma_start3A_235] : memref<204800x128xf32, #tpu.memory_space<hbm>> -> memref<128x128xf32, #tpu.memory_space<hbm>>
      %dma_start3A_237 = arith.constant 0 : i32
      %dma_start3A_238 = tpu.memref_slice %arg4[%add3A_234, %dma_start3A_237] : memref<204800x128xf32, #tpu.memory_space<hbm>> -> memref<128x128xf32, #tpu.memory_space<hbm>>
      tpu.enqueue_dma source(%arg12 : memref<128x128xf32, #tpu.memory_space<vmem>>) target(%dma_start3A_238 : memref<128x128xf32, #tpu.memory_space<hbm>>) target_semaphore(%arg26 : memref<!tpu.dma_semaphore, #tpu.memory_space<semaphore_mem>>)
      %add3A_239 = arith.constant 3 : i32
      %add3A_240 = arith.addi %add3A_163, %add3A_239 : i32
      %dma_wait3A_241 = arith.constant 0 : i32
      %dma_wait3A_242 = tpu.memref_slice %arg4[%mul3A_4, %dma_wait3A_241] : memref<204800x128xf32, #tpu.memory_space<hbm>> -> memref<128x128xf32, #tpu.memory_space<hbm>>
      %dma_wait3A_243 = arith.constant 0 : i32
      %dma_wait3A_244 = tpu.memref_slice %arg4[%mul3A_4, %dma_wait3A_243] : memref<204800x128xf32, #tpu.memory_space<hbm>> -> memref<128x128xf32, #tpu.memory_space<hbm>>
      tpu.wait_dma2 semaphore(%arg24 : memref<!tpu.dma_semaphore, #tpu.memory_space<semaphore_mem>>) src(%arg10 : memref<128x128xf32, #tpu.memory_space<vmem>>) dst(%dma_wait3A_244 : memref<128x128xf32, #tpu.memory_space<hbm>>)
      %add3A_245 = arith.constant 4 : i32
      %add3A_246 = arith.addi %add3A_240, %add3A_245 : i32
      %mul3A_247 = arith.constant 128 : i32
      %mul3A_248 = arith.muli %add3A_246, %mul3A_247 : i32
      %dma_start3A_249 = tpu.memref_slice %arg5[%mul3A_248] : memref<6400xi32, #tpu.memory_space<vmem>> -> memref<128xi32, #tpu.memory_space<vmem>>
      %dma_start3A_250 = arith.constant 0 : i32
      %dma_start3A_251 = arith.constant 0 : i32
      %dma_start3A_252 = tpu.memref_slice %arg3[%dma_start3A_250, %dma_start3A_251] : memref<100000x128xf32, #tpu.memory_space<hbm>> -> memref<100000x128xf32, #tpu.memory_space<hbm>>
      tpu.enqueue_indirect_dma source(%dma_start3A_252 : memref<100000x128xf32, #tpu.memory_space<hbm>>) target(%arg10 : memref<128x128xf32, #tpu.memory_space<vmem>>) offsets(%dma_start3A_249 : memref<128xi32, #tpu.memory_space<vmem>>) semaphore(%arg17 : memref<!tpu.dma_semaphore, #tpu.memory_space<semaphore_mem>>)
      %dma_wait3A_253 = arith.constant 0 : i32
      %dma_wait3A_254 = tpu.memref_slice %arg4[%mul3A_4, %dma_wait3A_253] : memref<204800x128xf32, #tpu.memory_space<hbm>> -> memref<128x128xf32, #tpu.memory_space<hbm>>
      %dma_wait3A_255 = arith.constant 0 : i32
      %dma_wait3A_256 = tpu.memref_slice %arg4[%mul3A_4, %dma_wait3A_255] : memref<204800x128xf32, #tpu.memory_space<hbm>> -> memref<128x128xf32, #tpu.memory_space<hbm>>
      tpu.wait_dma2 semaphore(%arg13 : memref<!tpu.dma_semaphore, #tpu.memory_space<semaphore_mem>>) src(%dma_wait3A_256 : memref<128x128xf32, #tpu.memory_space<hbm>>) dst(%arg6 : memref<128x128xf32, #tpu.memory_space<vmem>>)
      %mul3A_257 = arith.constant 4096 : i32
      %mul3A_258 = arith.muli %add3A_240, %mul3A_257 : i32
      %add3A_259 = arith.addi %mul3A_258, %mul3A_4 : i32
      %dma_start3A_260 = arith.constant 0 : i32
      %dma_start3A_261 = tpu.memref_slice %arg4[%add3A_259, %dma_start3A_260] : memref<204800x128xf32, #tpu.memory_space<hbm>> -> memref<128x128xf32, #tpu.memory_space<hbm>>
      %dma_start3A_262 = arith.constant 0 : i32
      %dma_start3A_263 = tpu.memref_slice %arg4[%add3A_259, %dma_start3A_262] : memref<204800x128xf32, #tpu.memory_space<hbm>> -> memref<128x128xf32, #tpu.memory_space<hbm>>
      tpu.enqueue_dma source(%arg6 : memref<128x128xf32, #tpu.memory_space<vmem>>) target(%dma_start3A_263 : memref<128x128xf32, #tpu.memory_space<hbm>>) target_semaphore(%arg20 : memref<!tpu.dma_semaphore, #tpu.memory_space<semaphore_mem>>)
      %add3A_264 = arith.constant 4 : i32
      %add3A_265 = arith.addi %add3A_163, %add3A_264 : i32
      %dma_wait3A_266 = arith.constant 0 : i32
      %dma_wait3A_267 = tpu.memref_slice %arg4[%mul3A_4, %dma_wait3A_266] : memref<204800x128xf32, #tpu.memory_space<hbm>> -> memref<128x128xf32, #tpu.memory_space<hbm>>
      %dma_wait3A_268 = arith.constant 0 : i32
      %dma_wait3A_269 = tpu.memref_slice %arg4[%mul3A_4, %dma_wait3A_268] : memref<204800x128xf32, #tpu.memory_space<hbm>> -> memref<128x128xf32, #tpu.memory_space<hbm>>
      tpu.wait_dma2 semaphore(%arg25 : memref<!tpu.dma_semaphore, #tpu.memory_space<semaphore_mem>>) src(%arg11 : memref<128x128xf32, #tpu.memory_space<vmem>>) dst(%dma_wait3A_269 : memref<128x128xf32, #tpu.memory_space<hbm>>)
      %add3A_270 = arith.constant 4 : i32
      %add3A_271 = arith.addi %add3A_265, %add3A_270 : i32
      %mul3A_272 = arith.constant 128 : i32
      %mul3A_273 = arith.muli %add3A_271, %mul3A_272 : i32
      %dma_start3A_274 = tpu.memref_slice %arg5[%mul3A_273] : memref<6400xi32, #tpu.memory_space<vmem>> -> memref<128xi32, #tpu.memory_space<vmem>>
      %dma_start3A_275 = arith.constant 0 : i32
      %dma_start3A_276 = arith.constant 0 : i32
      %dma_start3A_277 = tpu.memref_slice %arg3[%dma_start3A_275, %dma_start3A_276] : memref<100000x128xf32, #tpu.memory_space<hbm>> -> memref<100000x128xf32, #tpu.memory_space<hbm>>
      tpu.enqueue_indirect_dma source(%dma_start3A_277 : memref<100000x128xf32, #tpu.memory_space<hbm>>) target(%arg11 : memref<128x128xf32, #tpu.memory_space<vmem>>) offsets(%dma_start3A_274 : memref<128xi32, #tpu.memory_space<vmem>>) semaphore(%arg18 : memref<!tpu.dma_semaphore, #tpu.memory_space<semaphore_mem>>)
      %dma_wait3A_278 = arith.constant 0 : i32
      %dma_wait3A_279 = tpu.memref_slice %arg4[%mul3A_4, %dma_wait3A_278] : memref<204800x128xf32, #tpu.memory_space<hbm>> -> memref<128x128xf32, #tpu.memory_space<hbm>>
      %dma_wait3A_280 = arith.constant 0 : i32
      %dma_wait3A_281 = tpu.memref_slice %arg4[%mul3A_4, %dma_wait3A_280] : memref<204800x128xf32, #tpu.memory_space<hbm>> -> memref<128x128xf32, #tpu.memory_space<hbm>>
      tpu.wait_dma2 semaphore(%arg14 : memref<!tpu.dma_semaphore, #tpu.memory_space<semaphore_mem>>) src(%dma_wait3A_281 : memref<128x128xf32, #tpu.memory_space<hbm>>) dst(%arg7 : memref<128x128xf32, #tpu.memory_space<vmem>>)
      %mul3A_282 = arith.constant 4096 : i32
      %mul3A_283 = arith.muli %add3A_265, %mul3A_282 : i32
      %add3A_284 = arith.addi %mul3A_283, %mul3A_4 : i32
      %dma_start3A_285 = arith.constant 0 : i32
      %dma_start3A_286 = tpu.memref_slice %arg4[%add3A_284, %dma_start3A_285] : memref<204800x128xf32, #tpu.memory_space<hbm>> -> memref<128x128xf32, #tpu.memory_space<hbm>>
      %dma_start3A_287 = arith.constant 0 : i32
      %dma_start3A_288 = tpu.memref_slice %arg4[%add3A_284, %dma_start3A_287] : memref<204800x128xf32, #tpu.memory_space<hbm>> -> memref<128x128xf32, #tpu.memory_space<hbm>>
      tpu.enqueue_dma source(%arg7 : memref<128x128xf32, #tpu.memory_space<vmem>>) target(%dma_start3A_288 : memref<128x128xf32, #tpu.memory_space<hbm>>) target_semaphore(%arg21 : memref<!tpu.dma_semaphore, #tpu.memory_space<semaphore_mem>>)
      %add3A_289 = arith.constant 5 : i32
      %add3A_290 = arith.addi %add3A_163, %add3A_289 : i32
      %dma_wait3A_291 = arith.constant 0 : i32
      %dma_wait3A_292 = tpu.memref_slice %arg4[%mul3A_4, %dma_wait3A_291] : memref<204800x128xf32, #tpu.memory_space<hbm>> -> memref<128x128xf32, #tpu.memory_space<hbm>>
      %dma_wait3A_293 = arith.constant 0 : i32
      %dma_wait3A_294 = tpu.memref_slice %arg4[%mul3A_4, %dma_wait3A_293] : memref<204800x128xf32, #tpu.memory_space<hbm>> -> memref<128x128xf32, #tpu.memory_space<hbm>>
      tpu.wait_dma2 semaphore(%arg26 : memref<!tpu.dma_semaphore, #tpu.memory_space<semaphore_mem>>) src(%arg12 : memref<128x128xf32, #tpu.memory_space<vmem>>) dst(%dma_wait3A_294 : memref<128x128xf32, #tpu.memory_space<hbm>>)
      %add3A_295 = arith.constant 4 : i32
      %add3A_296 = arith.addi %add3A_290, %add3A_295 : i32
      %mul3A_297 = arith.constant 128 : i32
      %mul3A_298 = arith.muli %add3A_296, %mul3A_297 : i32
      %dma_start3A_299 = tpu.memref_slice %arg5[%mul3A_298] : memref<6400xi32, #tpu.memory_space<vmem>> -> memref<128xi32, #tpu.memory_space<vmem>>
      %dma_start3A_300 = arith.constant 0 : i32
      %dma_start3A_301 = arith.constant 0 : i32
      %dma_start3A_302 = tpu.memref_slice %arg3[%dma_start3A_300, %dma_start3A_301] : memref<100000x128xf32, #tpu.memory_space<hbm>> -> memref<100000x128xf32, #tpu.memory_space<hbm>>
      tpu.enqueue_indirect_dma source(%dma_start3A_302 : memref<100000x128xf32, #tpu.memory_space<hbm>>) target(%arg12 : memref<128x128xf32, #tpu.memory_space<vmem>>) offsets(%dma_start3A_299 : memref<128xi32, #tpu.memory_space<vmem>>) semaphore(%arg19 : memref<!tpu.dma_semaphore, #tpu.memory_space<semaphore_mem>>)
      %dma_wait3A_303 = arith.constant 0 : i32
      %dma_wait3A_304 = tpu.memref_slice %arg4[%mul3A_4, %dma_wait3A_303] : memref<204800x128xf32, #tpu.memory_space<hbm>> -> memref<128x128xf32, #tpu.memory_space<hbm>>
      %dma_wait3A_305 = arith.constant 0 : i32
      %dma_wait3A_306 = tpu.memref_slice %arg4[%mul3A_4, %dma_wait3A_305] : memref<204800x128xf32, #tpu.memory_space<hbm>> -> memref<128x128xf32, #tpu.memory_space<hbm>>
      tpu.wait_dma2 semaphore(%arg15 : memref<!tpu.dma_semaphore, #tpu.memory_space<semaphore_mem>>) src(%dma_wait3A_306 : memref<128x128xf32, #tpu.memory_space<hbm>>) dst(%arg8 : memref<128x128xf32, #tpu.memory_space<vmem>>)
      %mul3A_307 = arith.constant 4096 : i32
      %mul3A_308 = arith.muli %add3A_290, %mul3A_307 : i32
      %add3A_309 = arith.addi %mul3A_308, %mul3A_4 : i32
      %dma_start3A_310 = arith.constant 0 : i32
      %dma_start3A_311 = tpu.memref_slice %arg4[%add3A_309, %dma_start3A_310] : memref<204800x128xf32, #tpu.memory_space<hbm>> -> memref<128x128xf32, #tpu.memory_space<hbm>>
      %dma_start3A_312 = arith.constant 0 : i32
      %dma_start3A_313 = tpu.memref_slice %arg4[%add3A_309, %dma_start3A_312] : memref<204800x128xf32, #tpu.memory_space<hbm>> -> memref<128x128xf32, #tpu.memory_space<hbm>>
      tpu.enqueue_dma source(%arg8 : memref<128x128xf32, #tpu.memory_space<vmem>>) target(%dma_start3A_313 : memref<128x128xf32, #tpu.memory_space<hbm>>) target_semaphore(%arg22 : memref<!tpu.dma_semaphore, #tpu.memory_space<semaphore_mem>>)
      %add3A_314 = arith.constant 6 : i32
      %add3A_315 = arith.addi %add3A_163, %add3A_314 : i32
      %dma_wait3A_316 = arith.constant 0 : i32
      %dma_wait3A_317 = tpu.memref_slice %arg4[%mul3A_4, %dma_wait3A_316] : memref<204800x128xf32, #tpu.memory_space<hbm>> -> memref<128x128xf32, #tpu.memory_space<hbm>>
      %dma_wait3A_318 = arith.constant 0 : i32
      %dma_wait3A_319 = tpu.memref_slice %arg4[%mul3A_4, %dma_wait3A_318] : memref<204800x128xf32, #tpu.memory_space<hbm>> -> memref<128x128xf32, #tpu.memory_space<hbm>>
      tpu.wait_dma2 semaphore(%arg20 : memref<!tpu.dma_semaphore, #tpu.memory_space<semaphore_mem>>) src(%arg6 : memref<128x128xf32, #tpu.memory_space<vmem>>) dst(%dma_wait3A_319 : memref<128x128xf32, #tpu.memory_space<hbm>>)
      %add3A_320 = arith.constant 4 : i32
      %add3A_321 = arith.addi %add3A_315, %add3A_320 : i32
      %mul3A_322 = arith.constant 128 : i32
      %mul3A_323 = arith.muli %add3A_321, %mul3A_322 : i32
      %dma_start3A_324 = tpu.memref_slice %arg5[%mul3A_323] : memref<6400xi32, #tpu.memory_space<vmem>> -> memref<128xi32, #tpu.memory_space<vmem>>
      %dma_start3A_325 = arith.constant 0 : i32
      %dma_start3A_326 = arith.constant 0 : i32
      %dma_start3A_327 = tpu.memref_slice %arg3[%dma_start3A_325, %dma_start3A_326] : memref<100000x128xf32, #tpu.memory_space<hbm>> -> memref<100000x128xf32, #tpu.memory_space<hbm>>
      tpu.enqueue_indirect_dma source(%dma_start3A_327 : memref<100000x128xf32, #tpu.memory_space<hbm>>) target(%arg6 : memref<128x128xf32, #tpu.memory_space<vmem>>) offsets(%dma_start3A_324 : memref<128xi32, #tpu.memory_space<vmem>>) semaphore(%arg13 : memref<!tpu.dma_semaphore, #tpu.memory_space<semaphore_mem>>)
      %dma_wait3A_328 = arith.constant 0 : i32
      %dma_wait3A_329 = tpu.memref_slice %arg4[%mul3A_4, %dma_wait3A_328] : memref<204800x128xf32, #tpu.memory_space<hbm>> -> memref<128x128xf32, #tpu.memory_space<hbm>>
      %dma_wait3A_330 = arith.constant 0 : i32
      %dma_wait3A_331 = tpu.memref_slice %arg4[%mul3A_4, %dma_wait3A_330] : memref<204800x128xf32, #tpu.memory_space<hbm>> -> memref<128x128xf32, #tpu.memory_space<hbm>>
      tpu.wait_dma2 semaphore(%arg16 : memref<!tpu.dma_semaphore, #tpu.memory_space<semaphore_mem>>) src(%dma_wait3A_331 : memref<128x128xf32, #tpu.memory_space<hbm>>) dst(%arg9 : memref<128x128xf32, #tpu.memory_space<vmem>>)
      %mul3A_332 = arith.constant 4096 : i32
      %mul3A_333 = arith.muli %add3A_315, %mul3A_332 : i32
      %add3A_334 = arith.addi %mul3A_333, %mul3A_4 : i32
      %dma_start3A_335 = arith.constant 0 : i32
      %dma_start3A_336 = tpu.memref_slice %arg4[%add3A_334, %dma_start3A_335] : memref<204800x128xf32, #tpu.memory_space<hbm>> -> memref<128x128xf32, #tpu.memory_space<hbm>>
      %dma_start3A_337 = arith.constant 0 : i32
      %dma_start3A_338 = tpu.memref_slice %arg4[%add3A_334, %dma_start3A_337] : memref<204800x128xf32, #tpu.memory_space<hbm>> -> memref<128x128xf32, #tpu.memory_space<hbm>>
      tpu.enqueue_dma source(%arg9 : memref<128x128xf32, #tpu.memory_space<vmem>>) target(%dma_start3A_338 : memref<128x128xf32, #tpu.memory_space<hbm>>) target_semaphore(%arg23 : memref<!tpu.dma_semaphore, #tpu.memory_space<semaphore_mem>>)
    }
    %scan3A_90 = arith.constant 6 : i32
    %dma_wait3A_91 = arith.constant 0 : i32
    %dma_wait3A_92 = tpu.memref_slice %arg4[%mul3A_4, %dma_wait3A_91] : memref<204800x128xf32, #tpu.memory_space<hbm>> -> memref<128x128xf32, #tpu.memory_space<hbm>>
    %dma_wait3A_93 = arith.constant 0 : i32
    %dma_wait3A_94 = tpu.memref_slice %arg4[%mul3A_4, %dma_wait3A_93] : memref<204800x128xf32, #tpu.memory_space<hbm>> -> memref<128x128xf32, #tpu.memory_space<hbm>>
    tpu.wait_dma2 semaphore(%arg17 : memref<!tpu.dma_semaphore, #tpu.memory_space<semaphore_mem>>) src(%dma_wait3A_94 : memref<128x128xf32, #tpu.memory_space<hbm>>) dst(%arg10 : memref<128x128xf32, #tpu.memory_space<vmem>>)
    %add3A_95 = arith.constant 188416 : i32
    %add3A_96 = arith.addi %add3A_95, %mul3A_4 : i32
    %dma_start3A_97 = arith.constant 0 : i32
    %dma_start3A_98 = tpu.memref_slice %arg4[%add3A_96, %dma_start3A_97] : memref<204800x128xf32, #tpu.memory_space<hbm>> -> memref<128x128xf32, #tpu.memory_space<hbm>>
    %dma_start3A_99 = arith.constant 0 : i32
    %dma_start3A_100 = tpu.memref_slice %arg4[%add3A_96, %dma_start3A_99] : memref<204800x128xf32, #tpu.memory_space<hbm>> -> memref<128x128xf32, #tpu.memory_space<hbm>>
    tpu.enqueue_dma source(%arg10 : memref<128x128xf32, #tpu.memory_space<vmem>>) target(%dma_start3A_100 : memref<128x128xf32, #tpu.memory_space<hbm>>) target_semaphore(%arg24 : memref<!tpu.dma_semaphore, #tpu.memory_space<semaphore_mem>>)
    %dma_wait3A_101 = arith.constant 0 : i32
    %dma_wait3A_102 = tpu.memref_slice %arg4[%mul3A_4, %dma_wait3A_101] : memref<204800x128xf32, #tpu.memory_space<hbm>> -> memref<128x128xf32, #tpu.memory_space<hbm>>
    %dma_wait3A_103 = arith.constant 0 : i32
    %dma_wait3A_104 = tpu.memref_slice %arg4[%mul3A_4, %dma_wait3A_103] : memref<204800x128xf32, #tpu.memory_space<hbm>> -> memref<128x128xf32, #tpu.memory_space<hbm>>
    tpu.wait_dma2 semaphore(%arg18 : memref<!tpu.dma_semaphore, #tpu.memory_space<semaphore_mem>>) src(%dma_wait3A_104 : memref<128x128xf32, #tpu.memory_space<hbm>>) dst(%arg11 : memref<128x128xf32, #tpu.memory_space<vmem>>)
    %add3A_105 = arith.constant 192512 : i32
    %add3A_106 = arith.addi %add3A_105, %mul3A_4 : i32
    %dma_start3A_107 = arith.constant 0 : i32
    %dma_start3A_108 = tpu.memref_slice %arg4[%add3A_106, %dma_start3A_107] : memref<204800x128xf32, #tpu.memory_space<hbm>> -> memref<128x128xf32, #tpu.memory_space<hbm>>
    %dma_start3A_109 = arith.constant 0 : i32
    %dma_start3A_110 = tpu.memref_slice %arg4[%add3A_106, %dma_start3A_109] : memref<204800x128xf32, #tpu.memory_space<hbm>> -> memref<128x128xf32, #tpu.memory_space<hbm>>
    tpu.enqueue_dma source(%arg11 : memref<128x128xf32, #tpu.memory_space<vmem>>) target(%dma_start3A_110 : memref<128x128xf32, #tpu.memory_space<hbm>>) target_semaphore(%arg25 : memref<!tpu.dma_semaphore, #tpu.memory_space<semaphore_mem>>)
    %dma_wait3A_111 = arith.constant 0 : i32
    %dma_wait3A_112 = tpu.memref_slice %arg4[%mul3A_4, %dma_wait3A_111] : memref<204800x128xf32, #tpu.memory_space<hbm>> -> memref<128x128xf32, #tpu.memory_space<hbm>>
    %dma_wait3A_113 = arith.constant 0 : i32
    %dma_wait3A_114 = tpu.memref_slice %arg4[%mul3A_4, %dma_wait3A_113] : memref<204800x128xf32, #tpu.memory_space<hbm>> -> memref<128x128xf32, #tpu.memory_space<hbm>>
    tpu.wait_dma2 semaphore(%arg19 : memref<!tpu.dma_semaphore, #tpu.memory_space<semaphore_mem>>) src(%dma_wait3A_114 : memref<128x128xf32, #tpu.memory_space<hbm>>) dst(%arg12 : memref<128x128xf32, #tpu.memory_space<vmem>>)
    %add3A_115 = arith.constant 196608 : i32
    %add3A_116 = arith.addi %add3A_115, %mul3A_4 : i32
    %dma_start3A_117 = arith.constant 0 : i32
    %dma_start3A_118 = tpu.memref_slice %arg4[%add3A_116, %dma_start3A_117] : memref<204800x128xf32, #tpu.memory_space<hbm>> -> memref<128x128xf32, #tpu.memory_space<hbm>>
    %dma_start3A_119 = arith.constant 0 : i32
    %dma_start3A_120 = tpu.memref_slice %arg4[%add3A_116, %dma_start3A_119] : memref<204800x128xf32, #tpu.memory_space<hbm>> -> memref<128x128xf32, #tpu.memory_space<hbm>>
    tpu.enqueue_dma source(%arg12 : memref<128x128xf32, #tpu.memory_space<vmem>>) target(%dma_start3A_120 : memref<128x128xf32, #tpu.memory_space<hbm>>) target_semaphore(%arg26 : memref<!tpu.dma_semaphore, #tpu.memory_space<semaphore_mem>>)
    %dma_wait3A_121 = arith.constant 0 : i32
    %dma_wait3A_122 = tpu.memref_slice %arg4[%mul3A_4, %dma_wait3A_121] : memref<204800x128xf32, #tpu.memory_space<hbm>> -> memref<128x128xf32, #tpu.memory_space<hbm>>
    %dma_wait3A_123 = arith.constant 0 : i32
    %dma_wait3A_124 = tpu.memref_slice %arg4[%mul3A_4, %dma_wait3A_123] : memref<204800x128xf32, #tpu.memory_space<hbm>> -> memref<128x128xf32, #tpu.memory_space<hbm>>
    tpu.wait_dma2 semaphore(%arg13 : memref<!tpu.dma_semaphore, #tpu.memory_space<semaphore_mem>>) src(%dma_wait3A_124 : memref<128x128xf32, #tpu.memory_space<hbm>>) dst(%arg6 : memref<128x128xf32, #tpu.memory_space<vmem>>)
    %add3A_125 = arith.constant 200704 : i32
    %add3A_126 = arith.addi %add3A_125, %mul3A_4 : i32
    %dma_start3A_127 = arith.constant 0 : i32
    %dma_start3A_128 = tpu.memref_slice %arg4[%add3A_126, %dma_start3A_127] : memref<204800x128xf32, #tpu.memory_space<hbm>> -> memref<128x128xf32, #tpu.memory_space<hbm>>
    %dma_start3A_129 = arith.constant 0 : i32
    %dma_start3A_130 = tpu.memref_slice %arg4[%add3A_126, %dma_start3A_129] : memref<204800x128xf32, #tpu.memory_space<hbm>> -> memref<128x128xf32, #tpu.memory_space<hbm>>
    tpu.enqueue_dma source(%arg6 : memref<128x128xf32, #tpu.memory_space<vmem>>) target(%dma_start3A_130 : memref<128x128xf32, #tpu.memory_space<hbm>>) target_semaphore(%arg20 : memref<!tpu.dma_semaphore, #tpu.memory_space<semaphore_mem>>)
    %dma_wait3A_131 = arith.constant 0 : i32
    %dma_wait3A_132 = tpu.memref_slice %arg4[%mul3A_4, %dma_wait3A_131] : memref<204800x128xf32, #tpu.memory_space<hbm>> -> memref<128x128xf32, #tpu.memory_space<hbm>>
    %dma_wait3A_133 = arith.constant 0 : i32
    %dma_wait3A_134 = tpu.memref_slice %arg4[%mul3A_4, %dma_wait3A_133] : memref<204800x128xf32, #tpu.memory_space<hbm>> -> memref<128x128xf32, #tpu.memory_space<hbm>>
    tpu.wait_dma2 semaphore(%arg20 : memref<!tpu.dma_semaphore, #tpu.memory_space<semaphore_mem>>) src(%arg6 : memref<128x128xf32, #tpu.memory_space<vmem>>) dst(%dma_wait3A_134 : memref<128x128xf32, #tpu.memory_space<hbm>>)
    %dma_wait3A_135 = arith.constant 0 : i32
    %dma_wait3A_136 = tpu.memref_slice %arg4[%mul3A_4, %dma_wait3A_135] : memref<204800x128xf32, #tpu.memory_space<hbm>> -> memref<128x128xf32, #tpu.memory_space<hbm>>
    %dma_wait3A_137 = arith.constant 0 : i32
    %dma_wait3A_138 = tpu.memref_slice %arg4[%mul3A_4, %dma_wait3A_137] : memref<204800x128xf32, #tpu.memory_space<hbm>> -> memref<128x128xf32, #tpu.memory_space<hbm>>
    tpu.wait_dma2 semaphore(%arg21 : memref<!tpu.dma_semaphore, #tpu.memory_space<semaphore_mem>>) src(%arg7 : memref<128x128xf32, #tpu.memory_space<vmem>>) dst(%dma_wait3A_138 : memref<128x128xf32, #tpu.memory_space<hbm>>)
    %dma_wait3A_139 = arith.constant 0 : i32
    %dma_wait3A_140 = tpu.memref_slice %arg4[%mul3A_4, %dma_wait3A_139] : memref<204800x128xf32, #tpu.memory_space<hbm>> -> memref<128x128xf32, #tpu.memory_space<hbm>>
    %dma_wait3A_141 = arith.constant 0 : i32
    %dma_wait3A_142 = tpu.memref_slice %arg4[%mul3A_4, %dma_wait3A_141] : memref<204800x128xf32, #tpu.memory_space<hbm>> -> memref<128x128xf32, #tpu.memory_space<hbm>>
    tpu.wait_dma2 semaphore(%arg22 : memref<!tpu.dma_semaphore, #tpu.memory_space<semaphore_mem>>) src(%arg8 : memref<128x128xf32, #tpu.memory_space<vmem>>) dst(%dma_wait3A_142 : memref<128x128xf32, #tpu.memory_space<hbm>>)
    %dma_wait3A_143 = arith.constant 0 : i32
    %dma_wait3A_144 = tpu.memref_slice %arg4[%mul3A_4, %dma_wait3A_143] : memref<204800x128xf32, #tpu.memory_space<hbm>> -> memref<128x128xf32, #tpu.memory_space<hbm>>
    %dma_wait3A_145 = arith.constant 0 : i32
    %dma_wait3A_146 = tpu.memref_slice %arg4[%mul3A_4, %dma_wait3A_145] : memref<204800x128xf32, #tpu.memory_space<hbm>> -> memref<128x128xf32, #tpu.memory_space<hbm>>
    tpu.wait_dma2 semaphore(%arg23 : memref<!tpu.dma_semaphore, #tpu.memory_space<semaphore_mem>>) src(%arg9 : memref<128x128xf32, #tpu.memory_space<vmem>>) dst(%dma_wait3A_146 : memref<128x128xf32, #tpu.memory_space<hbm>>)
    %dma_wait3A_147 = arith.constant 0 : i32
    %dma_wait3A_148 = tpu.memref_slice %arg4[%mul3A_4, %dma_wait3A_147] : memref<204800x128xf32, #tpu.memory_space<hbm>> -> memref<128x128xf32, #tpu.memory_space<hbm>>
    %dma_wait3A_149 = arith.constant 0 : i32
    %dma_wait3A_150 = tpu.memref_slice %arg4[%mul3A_4, %dma_wait3A_149] : memref<204800x128xf32, #tpu.memory_space<hbm>> -> memref<128x128xf32, #tpu.memory_space<hbm>>
    tpu.wait_dma2 semaphore(%arg24 : memref<!tpu.dma_semaphore, #tpu.memory_space<semaphore_mem>>) src(%arg10 : memref<128x128xf32, #tpu.memory_space<vmem>>) dst(%dma_wait3A_150 : memref<128x128xf32, #tpu.memory_space<hbm>>)
    %dma_wait3A_151 = arith.constant 0 : i32
    %dma_wait3A_152 = tpu.memref_slice %arg4[%mul3A_4, %dma_wait3A_151] : memref<204800x128xf32, #tpu.memory_space<hbm>> -> memref<128x128xf32, #tpu.memory_space<hbm>>
    %dma_wait3A_153 = arith.constant 0 : i32
    %dma_wait3A_154 = tpu.memref_slice %arg4[%mul3A_4, %dma_wait3A_153] : memref<204800x128xf32, #tpu.memory_space<hbm>> -> memref<128x128xf32, #tpu.memory_space<hbm>>
    tpu.wait_dma2 semaphore(%arg25 : memref<!tpu.dma_semaphore, #tpu.memory_space<semaphore_mem>>) src(%arg11 : memref<128x128xf32, #tpu.memory_space<vmem>>) dst(%dma_wait3A_154 : memref<128x128xf32, #tpu.memory_space<hbm>>)
    %dma_wait3A_155 = arith.constant 0 : i32
    %dma_wait3A_156 = tpu.memref_slice %arg4[%mul3A_4, %dma_wait3A_155] : memref<204800x128xf32, #tpu.memory_space<hbm>> -> memref<128x128xf32, #tpu.memory_space<hbm>>
    %dma_wait3A_157 = arith.constant 0 : i32
    %dma_wait3A_158 = tpu.memref_slice %arg4[%mul3A_4, %dma_wait3A_157] : memref<204800x128xf32, #tpu.memory_space<hbm>> -> memref<128x128xf32, #tpu.memory_space<hbm>>
    tpu.wait_dma2 semaphore(%arg26 : memref<!tpu.dma_semaphore, #tpu.memory_space<semaphore_mem>>) src(%arg12 : memref<128x128xf32, #tpu.memory_space<vmem>>) dst(%dma_wait3A_158 : memref<128x128xf32, #tpu.memory_space<hbm>>)
    return
  }
}

</mosaic_0001>

<sc_bundles>
// kernel: kernel.3.cloned.1.call-start
scs
__scs_entry_jumppad:
0x0: {  	(pc) =	sbr.rel $0x88, $3  }
0x1: {  	(tag) =	ssettag $0x0;
	lr =	simm.s32 $0x1  }
0x2: {  	[smem:$0x3F9F] =	sst lr;
	_ =	strace $0xD0000000  }
0x3: {  	_ = 	snop  }
0x4: {  	_ = 	snop  }
0x5: {  	_ = 	snop  }
0x6: {  	_ = 	snop  }
0x7: {  	_ = 	snop  }
__scs_overlays_trampoline_lowered:
0x8: {  	[smem:$0x3FAE] =	sst s0  }
0x9: {  	[smem:$0x3FAF] =	sst s1  }
0xa: {  	[smem:$0x3FB0] =	sst s2  }
0xb: {  	[smem:$0x3FB1] =	sst s3  }
0xc: {  	[smem:$0x3FB2] =	sst s4  }
0xd: {  	[smem:$0x3FB3] =	sst s5  }
0xe: {  	[smem:$0x3FB4] =	sst s6  }
0xf: {  	[smem:$0x3FB5] =	sst s7  }
0x10: {  	[smem:$0x3FB6] =	sst s8  }
0x11: {  	[smem:$0x3FB7] =	sst s9;
	s0 =	simm.s32 @!p0 $0x0  }
0x12: {  	s1 =	sld [smem:$0x3F9D];
	s0 =	simm.s32 @p0 $0x1  }
0x13: {  	[smem:$0x3FB8] =	sst s0;
	s0 =	simm.s32 @!p1 $0x0  }
0x14: {  	s2 =	sld [smem:$0x3F9C];
	s0 =	simm.s32 @p1 $0x1  }
0x15: {  	[smem:$0x3FB9] =	sst s0;
	s0 =	simm.s32 @!p2 $0x0  }
0x16: {  	s3 =	sld [smem:$0x3FDB];
	s0 =	simm.s32 @p2 $0x1  }
0x17: {  	s4 =	simm.s32 $0x1BF5;
	[smem:$0x3FBB] =	sst s0  }
0x18: {  	s0 =	sld [smem:$0x3F9E];
	_ =	swait.ge [sflag:s4], $0x0  }
0x19: {  	s7 =	sld [smem:$0x3F9F]  }
0x1a: {  	s8 =	sadd.s32 $0xFFFFE003, lr  }
0x1b: {  	s9 =	sadd.s32 $0xFFFFFEF7, lr;
	s5 =	simm.s32 $0xFFFFFFFF;
	p2 =	slt.u32 s8, $0xFFFFF086  }
0x1c: {  	p1 =	slt.u32 s9, $0xF7A;
	s5 =	simm.s32 @!p2 $0x0  }
0x1d: {  	s5 =	simm.s32 @p1 $0x1;
	p0 =	seq.s32 s7, s2  }
0x1e: {  	s7 =	smul.u32 @!p0 $0xF7A, s2;
	p2 =	seq.s32 @!p0 s5, $0x0  }
0x1f: {  	s9 =	smul.u32 $0xF7A, s1;
	s8 =	simm.s32 @!p0 $0x1BF5;
	p2 =	por !p2, p0  }
0x20: {  	[sflag:s8] =	ssyncset.s32 @!p0 $0xFFFFF086;
	s6 =	sadd.s32 @!p0 s3, s7;
	s7 =	simm.s32 @!p0 $0x108  }
0x21: {  	s3 =	sadd.s32 s3, s9;
	s6 =	sadd.s32 @!p0 $0x88, s6;
	s7 =	simm.s32 @p2 $0x1082  }
0x22: {  	[simem:s7], [sflag:s8] =	dma.local @!p0 [hbm:s6], $0xF7A  }
0x23: {  	s9 =	sor.u32 $0xD0000000, s2;
	s6 =	simm.s32 $0x108;
	_ =	swait.ge @!p0 [sflag:s8], $0x0  }
0x24: {  	s3 =	sadd.s32 $0x88, s3;
	s6 =	simm.s32 @!p1 $0x1082;
	[sflag:s4] =	ssyncset.s32 $0xFFFFF086  }
0x25: {  	[simem:s6], [sflag:s4] =	dma.local [hbm:s3], $0xF7A  }
0x26: {  	[smem:$0x3F9F] =	sst s1;
	(tag) =	ssettag s2;
	_ =	strace s9  }
0x27: {  	s1 =	sld [smem:$0x3FAF]  }
0x28: {  	s2 =	sld [smem:$0x3FB0]  }
0x29: {  	s4 =	sld [smem:$0x3FB2]  }
0x2a: {  	p0 =	seq.s32 s5, $0x0;
	s5 =	sld [smem:$0x3FB3]  }
0x2b: {  	s6 =	sld [smem:$0x3FB4]  }
0x2c: {  	s7 =	sld [smem:$0x3FB5]  }
0x2d: {  	s3 =	simm.s32 $0x108;
	s8 =	sld [smem:$0x3FB6]  }
0x2e: {  	s3 =	simm.s32 @!p0 $0x1082;
	s9 =	sld [smem:$0x3FB7]  }
0x2f: {  	lr =	sadd.s32 s0, s3;
	s0 =	sld [smem:$0x3FAE]  }
0x30: {  	s3 =	sld [smem:$0x3FB1]  }
0x31: {  	[smem:$0x3FBA] =	sst s10  }
0x32: {  	s10 =	sld [smem:$0x3FB8];
	_ =	sdelay $0x3  }
0x33: {  	p0 =	seq.s32 s10, $0x1;
	s10 =	sld [smem:$0x3FBA];
	_ =	sdelay $0x3  }
0x34: {  	[smem:$0x3FBA] =	sst s10  }
0x35: {  	s10 =	sld [smem:$0x3FB9];
	_ =	sdelay $0x3  }
0x36: {  	p1 =	seq.s32 s10, $0x1;
	s10 =	sld [smem:$0x3FBA];
	_ =	sdelay $0x3  }
0x37: {  	[smem:$0x3FBA] =	sst s10  }
0x38: {  	s10 =	sld [smem:$0x3FBB]  }
0x39: {  	_ = 	snop;
	(pc) =	sbr.ind lr, $3  }
0x3a: {  	_ = 	snop  }
0x3b: {  	_ = 	snop  }
0x3c: {  	p2 =	seq.s32 s10, $0x1;
	s10 =	sld [smem:$0x3FBA]  }
0x3d: {  	_ =	shalt  }
0x3e: {  	_ =	shalt  }
0x3f: {  	_ =	shalt  }
0x40: {  	_ =	shalt  }
0x41: {  	_ =	shalt  }
0x42: {  	_ =	shalt  }
0x43: {  	_ =	shalt  }
0x44: {  	_ =	shalt  }
0x45: {  	_ =	shalt  }
0x46: {  	_ =	shalt  }
0x47: {  	_ =	shalt  }
0x48: {  	_ =	shalt  }
0x49: {  	_ =	shalt  }
0x4a: {  	_ =	shalt  }
0x4b: {  	_ =	shalt  }
0x4c: {  	_ =	shalt  }
0x4d: {  	_ =	shalt  }
0x4e: {  	_ =	shalt  }
0x4f: {  	_ =	shalt  }
0x50: {  	_ =	shalt  }
0x51: {  	_ =	shalt  }
0x52: {  	_ =	shalt  }
0x53: {  	_ =	shalt  }
0x54: {  	_ =	shalt  }
0x55: {  	_ =	shalt  }
0x56: {  	_ =	shalt  }
0x57: {  	_ =	shalt  }
0x58: {  	_ =	shalt  }
0x59: {  	_ =	shalt  }
0x5a: {  	_ =	shalt  }
0x5b: {  	_ =	shalt  }
0x5c: {  	_ =	shalt  }
0x5d: {  	_ =	shalt  }
0x5e: {  	_ =	shalt  }
0x5f: {  	_ =	shalt  }
0x60: {  	_ =	shalt  }
0x61: {  	_ =	shalt  }
0x62: {  	_ =	shalt  }
0x63: {  	_ =	shalt  }
0x64: {  	_ =	shalt  }
0x65: {  	_ =	shalt  }
0x66: {  	_ =	shalt  }
0x67: {  	_ =	shalt  }
0x68: {  	_ =	shalt  }
0x69: {  	_ =	shalt  }
0x6a: {  	_ =	shalt  }
0x6b: {  	_ =	shalt  }
0x6c: {  	_ =	shalt  }
0x6d: {  	_ =	shalt  }
0x6e: {  	_ =	shalt  }
0x6f: {  	_ =	shalt  }
0x70: {  	_ =	shalt  }
0x71: {  	_ =	shalt  }
0x72: {  	_ =	shalt  }
0x73: {  	_ =	shalt  }
0x74: {  	_ =	shalt  }
0x75: {  	_ =	shalt  }
0x76: {  	_ =	shalt  }
0x77: {  	_ =	shalt  }
0x78: {  	_ =	shalt  }
0x79: {  	_ =	shalt  }
0x7a: {  	_ =	shalt  }
0x7b: {  	_ =	shalt  }
0x7c: {  	_ =	shalt  }
0x7d: {  	_ =	shalt  }
0x7e: {  	_ =	shalt  }
0x7f: {  	_ =	shalt  }
0x80: {  	_ =	shalt  }
0x81: {  	_ =	shalt  }
0x82: {  	_ =	shalt  }
0x83: {  	_ =	shalt  }
0x84: {  	_ =	shalt  }
0x85: {  	_ =	shalt  }
0x86: {  	_ =	shalt  }
0x87: {  	_ =	shalt  }
.Lfunc_end0:
.L_simem_size_0:
called_computation_lowered:
.L_overlay_start_0:
0x88: {  	s2 =	sld [smem:$0x3FD9]  }
0x89: {  	s3 =	sld [smem:$0x3FFE];
	_ =	sdelay $0x1  }
0x8a: {  	s1 =	srdreg.scid  }
0x8b: {  	s0 =	sand.u32 $0x1, s1  }
0x8c: {  	s17 =	sshll.u32 s0, $0xA;
	s2 =	sadd.s32 s3, s2  }
0x8d: {  	s2 =	sadd.s32 s2, s17  }
0x8e: {  	[smem:$0x3FC6] =	sst s2  }
0x8f: {  	_ = 	snop  }
0x90: {  	s2 =	sld [smem:$0x3FC8]  }
0x91: {  	s18 =	sld [smem:$0x3FD0];
	(tm) =	ssettm $0x1  }
0x92: {  	s4 =	sld [smem:$0x3FFB];
	_ =	sdelay $0x3  }
0x93: {  	_ =	strace s4  }
0x94: {  	s4 =	sld [smem:$0x3FFC];
	_ =	sdelay $0x3  }
0x95: {  	_ =	strace s4  }
0x96: {  	s4 =	sld [smem:$0x3FFD];
	_ =	sdelay $0x3  }
0x97: {  	_ =	strace s4  }
0x98: {  	_ =	strace $0x8FFFFFFF  }
0x99: {  	s19 =	sld [smem:$0x3FDB];
	_ =	sdelay $0x1  }
0x9a: {  	s5 =	simm.s32 $_scs_section_size  }
0x9b: {  	s6 =	simm.s32 $_size__tile_overlayer_lowered;
	s7 =	simm.s32 $_tile_overlayer_lowered  }
0x9c: {  	s22 =	simm.s32 $0x1BFF;
	s21 =	sshll.u32 s7, $0x1;
	s4 =	sadd.s32 s5, s19  }
0x9d: {  	s8 =	simm.s32 $0x0;
	s20 =	sshll.u32 s6, $0x1;
	s6 =	sadd.s32 s21, s4  }
0x9e: {  	[timem:s8], [sflag:s22] =	dma.local [hbm:s6], s20  }
0x9f: {  	_ =	swait.ge [sflag:s22], s20  }
0xa0: {  	s5 =	ssub.s32 $0x0, s20;
	[sflag:s22] =	ssyncset.done $0x0  }
0xa1: {  	[sflag:s22] =	ssyncadd.s32 s5;
	_ =	sdelay $0x1  }
0xa2: {  	s23 =	simm.s32 $0x1B8B  }
0xa3: {  	_ =	swait.ge [sflag:s23], $0x1  }
0xa4: {  	[sflag:s23] =	ssyncset.done $0x0  }
0xa5: {  	s25 =	simm.s32 $0x1B8E;
	s24 =	sld [smem:$0x3FFE];
	[sflag:s23] =	ssyncadd.s32 $0xFFFFFFFF  }
0xa6: {  	s26 =	simm.s32 $execute0_lowered;
	[smem:$0x3FD2] =	sst s25  }
0xa7: {  	s6 =	sshll.u32 s26, $0x1;
	_ =	strace $0x80000046;
	[dreg:$0x1] =	wrdreg $0xFFFFFFFF  }
0xa8: {  	s28 =	simm.s32 $_size_execute0_lowered;
	s4 =	sadd.s32 s4, s6;
	[dreg:$0x0] =	wrdreg $0x0  }
0xa9: {  	s6 =	sshll.u32 s28, $0x1;
	[dreg:$0x2] =	wrdreg s4  }
0xaa: {  	[dreg:$0x3] =	wrdreg s6  }
0xab: {  	[dreg:$0x4] =	wrdreg $0xC0  }
0xac: {  	_ =	task [dreg:s8], $0x5FFFF  }
0xad: {  	[dreg:$0x1] =	wrdreg $0xFFFFFFFF  }
0xae: {  	[dreg:$0x0] =	wrdreg $0x60  }
0xaf: {  	[dreg:$0x2] =	wrdreg s24  }
0xb0: {  	[dreg:$0x3] =	wrdreg s2  }
0xb1: {  	[dreg:$0x4] =	wrdreg s18  }
0xb2: {  	[dreg:$0x5] =	wrdreg $0x9  }
0xb3: {  	_ =	task.clear_ibuf [dreg:s8], $0x6FFFF;
	_ =	strace $0x90000046  }
0xb4: {  	s29 =	simm.s32 $0x9;
	_ =	strace $0x80000048  }
0xb5: {  	_ =	swait.ge [sflag:s29], $0x1  }
0xb6: {  	[sflag:s29] =	ssyncadd.s32 $0xFFFFFFFF  }
0xb7: {  	_ =	strace $0x90000048  }
0xb8: {  	_ =	sfence  }
0xb9: {  	s30 =	sld [smem:$0x0];
	_ =	sdelay $0x2  }
0xba: {  	s31 =	sshll.u32 s1, $0xD;
	s1 =	sshrl.u32 s1, $0x2  }
0xbb: {  	s3 =	sand.u32 $0x4000, s31;
	s1 =	sadd.s32 s1, s30  }
0xbc: {  	s0 =	sor.u32 s3, s0;
	s1 =	sshll.u32 s1, $0x11  }
0xbd: {  	s0 =	sor.u32 s1, s0  }
0xbe: {  	s0 =	sadd.s32 $0x8F2B, s0  }
0xbf: {  	[sflag:s0] =	ssyncadd.remote.s32 $0x1  }
0xc0: {  	_ =	sfence.sel $0xFFFF  }
0xc1: {  	[dreg:$0x0] =	wrdreg $0xFFFFFFFF;
	(pc) =	sbr.abs _section_cstart, $3  }
0xc2: {  	[dreg:$0x1] =	wrdreg $0xFFFFFFFF  }
0xc3: {  	_ =	task.clear_ibuf [dreg:s8], $0x2FFFF;
	_ =	strace $0x9FFFFFFF  }
0xc4: {  	(tm) =	ssettm $0x7FFFFFFF  }
0xc5: {  	_ =	shalt  }
tec
execute0_lowered:
.L_overlay_start_1:
0x0: {  	(tag) =	ssettag $0x1  }
0x1: {  	s0 =	rddreg [dreg:$0x0]  }
0x2: {  	s2 =	rddreg [dreg:$0x1];
	s1 =	srdreg.scid  }
0x3: {  	s8 =	stileid.u32;
	s5 =	rddreg [dreg:$0x2];
	s3 =	simm.s32 $0x0  }
0x4: {  	s15 =	simm.s32 $0xF;
	s16 =	simm.s32 $0x80;
	s28 =	simm.s32 $0x15900  }
0x5: {  	s29 =	simm.s32 $0x2;
	s31 =	simm.s32 $0x19900;
	s30 =	simm.s32 $0xA  }
0x6: {  	s9 =	simm.s32 $0xE;
	s1 =	sand.u32 $0x1, s1;
	s4 =	sshll.u32 s8, $0x1  }
0x7: {  	s10 =	simm.s32 $0x0;
	[smem:$0x7FF] =	sst s3;
	s4 =	sor.u32 s1, s4  }
0x8: {  	s21 =	sshll.u32 s8, $0xC;
	s6 =	smul.u32 $0x320, s4;
	s4 =	sshll.u32 s4, $0xB  }
0x9: {  	s8 =	simm.s32 $0xD;
	_ =	strace $0x80000047;
	s4 =	sadd.s32 s5, s4  }
0xa: {  	s7 =	ssub.s32 $0x2, s1;
	s18 =	sadd.s32 $0x10000, s4;
	[dreg:$0x4] =	wrdreg s4  }
0xb: {  	s1 =	sshll.u32 s1, $0xB;
	s19 =	sadd.s32 $0x20000, s4;
	[dreg:$0x6] =	wrdreg s18  }
0xc: {  	s17 =	sshrl.u32 s7, $0x1;
	s20 =	sadd.s32 $0x30000, s4;
	[dreg:$0x7] =	wrdreg s19  }
0xd: {  	s0 =	sadd.s32 s6, s0;
	s22 =	sadd.s32 $0x2E0000, s4;
	[dreg:$0x8] =	wrdreg s20  }
0xe: {  	s6 =	ssub.s32 s7, s17;
	s23 =	sadd.s32 $0x2F0000, s4;
	[dreg:$0x9] =	wrdreg s22  }
0xf: {  	s24 =	sadd.s32 $0x300000, s4;
	s25 =	sadd.s32 $0x310000, s4;
	[dreg:$0xa] =	wrdreg s23  }
0x10: {  	s17 =	simm.s32 $0x1900;
	s7 =	simm.s32 $0xC;
	[dreg:$0xb] =	wrdreg s24  }
0x11: {  	s0 =	sadd.s32 $0x400, s0;
	[dreg:$0xc] =	wrdreg s25;
	s26 =	smax.u32 s6, $0x1  }
0x12: {  	s18 =	simm.s32 $0x5900;
	s20 =	simm.s32 $0x9900;
	s22 =	simm.s32 $0xD900  }
0x13: {  	s24 =	simm.s32 $0x11900;
	s25 =	simm.s32 $0x1;
	s23 =	simm.s32 $0x9  }
0x14: {  	s19 =	simm.s32 $0x6;
	s6 =	simm.s32 $0x7;
	[dreg:$0x5] =	wrdreg s0  }
0x15: {  	s0 =	sadd.s32 s21, s5;
	[dreg:$0xd] =	wrdreg s26;
	s21 =	simm.s32 $0x4  }
0x16: {  	s26 =	simm.s32 $0x5;
	s5 =	simm.s32 $0xB;
	s0 =	sadd.s32 s1, s0  }
0x17: {  	s1 =	simm.s32 $0x3;
	s14 =	sadd.s32 $0x50000, s0;
	s0 =	simm.s32 $0x8  }
.LBB2_1:
0x18: {  	s4 =	rddreg [dreg:$0x5]  }
0x19: {  	[tilespmem:s3], [sflag:$0xF] =	stream.linear.gather [hbm4b:s4+s3], $0x1900, $0x38;
	[tilespmem:$0x1D900] =	vst v63  }
0x1a: {  	_ =	swait.ge [sflag:s15], $0x1900  }
0x1b: {  	[sflag:s15] =	ssyncset.done $0x0  }
0x1c: {  	[sflag:s15] =	ssyncadd.s32 $0xFFFFE700  }
0x1d: {  	[tilespmem:s17], [sflag:$0x1] =	stream.indirect.gather [hbm4b:s2+s16], $0x80, s3, s16, $0xb8;
	[tilespmem:$0x1D900] =	vst v63  }
0x1e: {  	_ = 	snop  }
0x1f: {  	[tilespmem:s18], [sflag:$0x2] =	stream.indirect.gather [hbm4b:s2+s16], $0x80, s16, s16, $0xb8;
	[tilespmem:$0x1D900] =	vst v63  }
0x20: {  	s11 =	simm.s32 $0x100  }
0x21: {  	[tilespmem:s20], [sflag:$0x3] =	stream.indirect.gather [hbm4b:s2+s16], $0x80, s11, s16, $0xb8;
	[tilespmem:$0x1D900] =	vst v63  }
0x22: {  	s12 =	simm.s32 $0x180  }
0x23: {  	[tilespmem:s22], [sflag:$0x4] =	stream.indirect.gather [hbm4b:s2+s16], $0x80, s12, s16, $0xb8;
	[tilespmem:$0x1D900] =	vst v63  }
0x24: {  	s13 =	simm.s32 $0x200  }
0x25: {  	[tilespmem:s24], [sflag:$0x5] =	stream.indirect.gather [hbm4b:s2+s16], $0x80, s13, s16, $0xb8;
	[tilespmem:$0x1D900] =	vst v63  }
0x26: {  	_ =	swait.ge [sflag:s25], $0x4000  }
0x27: {  	[sflag:s25] =	ssyncset.done $0x0  }
0x28: {  	s11 =	rddreg [dreg:$0x4];
	[sflag:s25] =	ssyncadd.s32 $0xFFFFC000  }
0x29: {  	[hbm4b:s11+s3] =	stream.linear.scatter [tilespmem:s17], [sflag:$0x8], $0x4000, $0x38;
	[tilespmem:$0x1D900] =	vst v63  }
0x2a: {  	s12 =	simm.s32 $0x280  }
0x2b: {  	[tilespmem:s28], [sflag:$0x6] =	stream.indirect.gather [hbm4b:s2+s16], $0x80, s12, s16, $0xb8;
	[tilespmem:$0x1D900] =	vst v63  }
0x2c: {  	_ =	swait.ge [sflag:s29], $0x4000  }
0x2d: {  	[sflag:s29] =	ssyncset.done $0x0  }
0x2e: {  	s13 =	rddreg [dreg:$0x6];
	[sflag:s29] =	ssyncadd.s32 $0xFFFFC000  }
0x2f: {  	[hbm4b:s13+s3] =	stream.linear.scatter [tilespmem:s18], [sflag:$0x9], $0x4000, $0x38;
	[tilespmem:$0x1D900] =	vst v63  }
0x30: {  	s11 =	simm.s32 $0x300  }
0x31: {  	[tilespmem:s31], [sflag:$0x7] =	stream.indirect.gather [hbm4b:s2+s16], $0x80, s11, s16, $0xb8;
	[tilespmem:$0x1D900] =	vst v63  }
0x32: {  	_ =	swait.ge [sflag:s1], $0x4000  }
0x33: {  	[sflag:s1] =	ssyncset.done $0x0  }
0x34: {  	s12 =	rddreg [dreg:$0x7];
	[sflag:s1] =	ssyncadd.s32 $0xFFFFC000  }
0x35: {  	[hbm4b:s12+s3] =	stream.linear.scatter [tilespmem:s20], [sflag:$0xA], $0x4000, $0x38;
	[tilespmem:$0x1D900] =	vst v63  }
0x36: {  	_ =	swait.ge [sflag:s0], $0x4000  }
0x37: {  	[sflag:s0] =	ssyncset.done $0x0  }
0x38: {  	s13 =	simm.s32 $0x380;
	[sflag:s0] =	ssyncadd.s32 $0xFFFFC000  }
0x39: {  	[tilespmem:s17], [sflag:$0x1] =	stream.indirect.gather [hbm4b:s2+s16], $0x80, s13, s16, $0xb8;
	[tilespmem:$0x1D900] =	vst v63  }
0x3a: {  	_ =	swait.ge [sflag:s21], $0x4000  }
0x3b: {  	[sflag:s21] =	ssyncset.done $0x0  }
0x3c: {  	s11 =	rddreg [dreg:$0x8];
	[sflag:s21] =	ssyncadd.s32 $0xFFFFC000  }
0x3d: {  	[hbm4b:s11+s3] =	stream.linear.scatter [tilespmem:s22], [sflag:$0xB], $0x4000, $0x38;
	[tilespmem:$0x1D900] =	vst v63  }
0x3e: {  	_ =	swait.ge [sflag:s23], $0x4000  }
0x3f: {  	[sflag:s23] =	ssyncset.done $0x0  }
0x40: {  	s11 =	simm.s32 $0x400;
	[sflag:s23] =	ssyncadd.s32 $0xFFFFC000  }
0x41: {  	[tilespmem:s18], [sflag:$0x2] =	stream.indirect.gather [hbm4b:s2+s16], $0x80, s11, s16, $0xb8;
	[tilespmem:$0x1D900] =	vst v63  }
0x42: {  	_ =	swait.ge [sflag:s26], $0x4000  }
0x43: {  	[sflag:s26] =	ssyncset.done $0x0  }
0x44: {  	s12 =	sadd.s32 $0xFFFF0000, s14;
	[sflag:s26] =	ssyncadd.s32 $0xFFFFC000  }
0x45: {  	[hbm4b:s12+s3] =	stream.linear.scatter [tilespmem:s24], [sflag:$0xC], $0x4000, $0x38;
	[tilespmem:$0x1D900] =	vst v63  }
0x46: {  	_ =	swait.ge [sflag:s30], $0x4000  }
0x47: {  	[sflag:s30] =	ssyncset.done $0x0  }
0x48: {  	s13 =	simm.s32 $0x480;
	[sflag:s30] =	ssyncadd.s32 $0xFFFFC000  }
0x49: {  	[tilespmem:s20], [sflag:$0x3] =	stream.indirect.gather [hbm4b:s2+s16], $0x80, s13, s16, $0xb8;
	[tilespmem:$0x1D900] =	vst v63  }
0x4a: {  	_ =	swait.ge [sflag:s19], $0x4000  }
0x4b: {  	[sflag:s19] =	ssyncset.done $0x0  }
0x4c: {  	[sflag:s19] =	ssyncadd.s32 $0xFFFFC000  }
0x4d: {  	[hbm4b:s14+s3] =	stream.linear.scatter [tilespmem:s28], [sflag:$0xD], $0x4000, $0x38;
	[tilespmem:$0x1D900] =	vst v63  }
0x4e: {  	_ =	swait.ge [sflag:s5], $0x4000  }
0x4f: {  	[sflag:s5] =	ssyncset.done $0x0  }
0x50: {  	s4 =	simm.s32 $0x500;
	[sflag:s5] =	ssyncadd.s32 $0xFFFFC000  }
0x51: {  	[tilespmem:s22], [sflag:$0x4] =	stream.indirect.gather [hbm4b:s2+s16], $0x80, s4, s16, $0xb8;
	[tilespmem:$0x1D900] =	vst v63  }
0x52: {  	_ =	swait.ge [sflag:s6], $0x4000  }
0x53: {  	[sflag:s6] =	ssyncset.done $0x0  }
0x54: {  	s12 =	sadd.s32 $0x10000, s14;
	[sflag:s6] =	ssyncadd.s32 $0xFFFFC000  }
0x55: {  	[hbm4b:s12+s3] =	stream.linear.scatter [tilespmem:s31], [sflag:$0xE], $0x4000, $0x38;
	[tilespmem:$0x1D900] =	vst v63  }
0x56: {  	_ =	swait.ge [sflag:s7], $0x4000  }
0x57: {  	[sflag:s7] =	ssyncset.done $0x0  }
0x58: {  	s13 =	simm.s32 $0x580;
	[sflag:s7] =	ssyncadd.s32 $0xFFFFC000  }
0x59: {  	[tilespmem:s24], [sflag:$0x5] =	stream.indirect.gather [hbm4b:s2+s16], $0x80, s13, s16, $0xb8;
	[tilespmem:$0x1D900] =	vst v63  }
0x5a: {  	_ =	swait.ge [sflag:s25], $0x4000  }
0x5b: {  	[sflag:s25] =	ssyncset.done $0x0  }
0x5c: {  	s4 =	sadd.s32 $0x20000, s14;
	[sflag:s25] =	ssyncadd.s32 $0xFFFFC000  }
0x5d: {  	[hbm4b:s4+s3] =	stream.linear.scatter [tilespmem:s17], [sflag:$0x8], $0x4000, $0x38;
	[tilespmem:$0x1D900] =	vst v63  }
0x5e: {  	_ =	swait.ge [sflag:s8], $0x4000  }
0x5f: {  	[sflag:s8] =	ssyncset.done $0x0  }
0x60: {  	s12 =	simm.s32 $0x600;
	[sflag:s8] =	ssyncadd.s32 $0xFFFFC000  }
0x61: {  	[tilespmem:s28], [sflag:$0x6] =	stream.indirect.gather [hbm4b:s2+s16], $0x80, s12, s16, $0xb8;
	[tilespmem:$0x1D900] =	vst v63  }
0x62: {  	_ =	swait.ge [sflag:s29], $0x4000  }
0x63: {  	[sflag:s29] =	ssyncset.done $0x0  }
0x64: {  	s13 =	sadd.s32 $0x30000, s14;
	[sflag:s29] =	ssyncadd.s32 $0xFFFFC000  }
0x65: {  	[hbm4b:s13+s3] =	stream.linear.scatter [tilespmem:s18], [sflag:$0x9], $0x4000, $0x38;
	[tilespmem:$0x1D900] =	vst v63  }
0x66: {  	_ =	swait.ge [sflag:s9], $0x4000  }
0x67: {  	[sflag:s9] =	ssyncset.done $0x0  }
0x68: {  	s4 =	simm.s32 $0x680;
	[sflag:s9] =	ssyncadd.s32 $0xFFFFC000  }
0x69: {  	[tilespmem:s31], [sflag:$0x7] =	stream.indirect.gather [hbm4b:s2+s16], $0x80, s4, s16, $0xb8;
	[tilespmem:$0x1D900] =	vst v63  }
0x6a: {  	_ =	swait.ge [sflag:s1], $0x4000  }
0x6b: {  	[sflag:s1] =	ssyncset.done $0x0  }
0x6c: {  	s12 =	sadd.s32 $0x40000, s14;
	[sflag:s1] =	ssyncadd.s32 $0xFFFFC000  }
0x6d: {  	[hbm4b:s12+s3] =	stream.linear.scatter [tilespmem:s20], [sflag:$0xA], $0x4000, $0x38;
	[tilespmem:$0x1D900] =	vst v63  }
0x6e: {  	_ =	swait.ge [sflag:s0], $0x4000  }
0x6f: {  	[sflag:s0] =	ssyncset.done $0x0  }
0x70: {  	s13 =	simm.s32 $0x700;
	[sflag:s0] =	ssyncadd.s32 $0xFFFFC000  }
0x71: {  	[tilespmem:s17], [sflag:$0x1] =	stream.indirect.gather [hbm4b:s2+s16], $0x80, s13, s16, $0xb8;
	[tilespmem:$0x1D900] =	vst v63  }
0x72: {  	_ =	swait.ge [sflag:s21], $0x4000  }
0x73: {  	s11 =	simm.s32 $0xE00;
	[sflag:s21] =	ssyncset.done $0x0  }
0x74: {  	s12 =	sadd.s32 $0x70000, s14;
	s13 =	sadd.s32 $0x50000, s14;
	[sflag:s21] =	ssyncadd.s32 $0xFFFFC000  }
.LBB2_2:
0x75: {  	[hbm4b:s13+s3] =	stream.linear.scatter [tilespmem:s22], [sflag:$0xB], $0x4000, $0x38;
	[tilespmem:$0x1D900] =	vst v63  }
0x76: {  	s13 =	smov.u32 s11  }
0x77: {  	p0 =	sne.s32 s11, $0x4600;
	s11 =	sadd.s32 $0xE00, s11;
	_ =	swait.ge [sflag:s23], $0x4000  }
0x78: {  	s13 =	sshra.s32 s13, $0x2;
	[sflag:s23] =	ssyncset.done $0x0  }
0x79: {  	s4 =	sadd.s32 $0x400, s13;
	[sflag:s23] =	ssyncadd.s32 $0xFFFFC000  }
0x7a: {  	[tilespmem:s18], [sflag:$0x2] =	stream.indirect.gather [hbm4b:s2+s16], $0x80, s4, s16, $0xb8;
	[tilespmem:$0x1D900] =	vst v63  }
0x7b: {  	_ =	swait.ge [sflag:s26], $0x4000  }
0x7c: {  	[sflag:s26] =	ssyncset.done $0x0  }
0x7d: {  	s4 =	sadd.s32 $0xFFFF0000, s12;
	[sflag:s26] =	ssyncadd.s32 $0xFFFFC000  }
0x7e: {  	[hbm4b:s4+s3] =	stream.linear.scatter [tilespmem:s24], [sflag:$0xC], $0x4000, $0x38;
	[tilespmem:$0x1D900] =	vst v63  }
0x7f: {  	_ =	swait.ge [sflag:s30], $0x4000  }
0x80: {  	[sflag:s30] =	ssyncset.done $0x0  }
0x81: {  	s4 =	sadd.s32 $0x480, s13;
	[sflag:s30] =	ssyncadd.s32 $0xFFFFC000  }
0x82: {  	[tilespmem:s20], [sflag:$0x3] =	stream.indirect.gather [hbm4b:s2+s16], $0x80, s4, s16, $0xb8;
	[tilespmem:$0x1D900] =	vst v63  }
0x83: {  	_ =	swait.ge [sflag:s19], $0x4000  }
0x84: {  	[sflag:s19] =	ssyncset.done $0x0  }
0x85: {  	[sflag:s19] =	ssyncadd.s32 $0xFFFFC000  }
0x86: {  	[hbm4b:s12+s3] =	stream.linear.scatter [tilespmem:s28], [sflag:$0xD], $0x4000, $0x38;
	[tilespmem:$0x1D900] =	vst v63  }
0x87: {  	_ =	swait.ge [sflag:s5], $0x4000  }
0x88: {  	[sflag:s5] =	ssyncset.done $0x0  }
0x89: {  	s4 =	sadd.s32 $0x500, s13;
	[sflag:s5] =	ssyncadd.s32 $0xFFFFC000  }
0x8a: {  	[tilespmem:s22], [sflag:$0x4] =	stream.indirect.gather [hbm4b:s2+s16], $0x80, s4, s16, $0xb8;
	[tilespmem:$0x1D900] =	vst v63  }
0x8b: {  	_ =	swait.ge [sflag:s6], $0x4000  }
0x8c: {  	[sflag:s6] =	ssyncset.done $0x0  }
0x8d: {  	s4 =	sadd.s32 $0x10000, s12;
	[sflag:s6] =	ssyncadd.s32 $0xFFFFC000  }
0x8e: {  	[hbm4b:s4+s3] =	stream.linear.scatter [tilespmem:s31], [sflag:$0xE], $0x4000, $0x38;
	[tilespmem:$0x1D900] =	vst v63  }
0x8f: {  	_ =	swait.ge [sflag:s7], $0x4000  }
0x90: {  	[sflag:s7] =	ssyncset.done $0x0  }
0x91: {  	s4 =	sadd.s32 $0x580, s13;
	[sflag:s7] =	ssyncadd.s32 $0xFFFFC000  }
0x92: {  	[tilespmem:s24], [sflag:$0x5] =	stream.indirect.gather [hbm4b:s2+s16], $0x80, s4, s16, $0xb8;
	[tilespmem:$0x1D900] =	vst v63  }
0x93: {  	_ =	swait.ge [sflag:s25], $0x4000  }
0x94: {  	[sflag:s25] =	ssyncset.done $0x0  }
0x95: {  	s4 =	sadd.s32 $0x20000, s12;
	[sflag:s25] =	ssyncadd.s32 $0xFFFFC000  }
0x96: {  	[hbm4b:s4+s3] =	stream.linear.scatter [tilespmem:s17], [sflag:$0x8], $0x4000, $0x38;
	[tilespmem:$0x1D900] =	vst v63  }
0x97: {  	_ =	swait.ge [sflag:s8], $0x4000  }
0x98: {  	[sflag:s8] =	ssyncset.done $0x0  }
0x99: {  	s4 =	sadd.s32 $0x600, s13;
	[sflag:s8] =	ssyncadd.s32 $0xFFFFC000  }
0x9a: {  	[tilespmem:s28], [sflag:$0x6] =	stream.indirect.gather [hbm4b:s2+s16], $0x80, s4, s16, $0xb8;
	[tilespmem:$0x1D900] =	vst v63  }
0x9b: {  	_ =	swait.ge [sflag:s29], $0x4000  }
0x9c: {  	[sflag:s29] =	ssyncset.done $0x0  }
0x9d: {  	s4 =	sadd.s32 $0x30000, s12;
	[sflag:s29] =	ssyncadd.s32 $0xFFFFC000  }
0x9e: {  	[hbm4b:s4+s3] =	stream.linear.scatter [tilespmem:s18], [sflag:$0x9], $0x4000, $0x38;
	[tilespmem:$0x1D900] =	vst v63  }
0x9f: {  	_ =	swait.ge [sflag:s9], $0x4000  }
0xa0: {  	[sflag:s9] =	ssyncset.done $0x0  }
0xa1: {  	s4 =	sadd.s32 $0x680, s13;
	[sflag:s9] =	ssyncadd.s32 $0xFFFFC000  }
0xa2: {  	[tilespmem:s31], [sflag:$0x7] =	stream.indirect.gather [hbm4b:s2+s16], $0x80, s4, s16, $0xb8;
	[tilespmem:$0x1D900] =	vst v63  }
0xa3: {  	_ =	swait.ge [sflag:s1], $0x4000  }
0xa4: {  	[sflag:s1] =	ssyncset.done $0x0  }
0xa5: {  	s4 =	sadd.s32 $0x40000, s12;
	[sflag:s1] =	ssyncadd.s32 $0xFFFFC000  }
0xa6: {  	[hbm4b:s4+s3] =	stream.linear.scatter [tilespmem:s20], [sflag:$0xA], $0x4000, $0x38;
	[tilespmem:$0x1D900] =	vst v63  }
0xa7: {  	_ =	swait.ge [sflag:s0], $0x4000  }
0xa8: {  	[sflag:s0] =	ssyncset.done $0x0  }
.Ltmp0:
0xa9: {  	s4 =	sadd.s32 $0x700, s13;
	[sflag:s0] =	ssyncadd.s32 $0xFFFFC000;
	(pc) =	sbr.rel @p0 .LBB2_2-.Ltmp0, $4  }
0xaa: {  	[tilespmem:s17], [sflag:$0x1] =	stream.indirect.gather [hbm4b:s2+s16], $0x80, s4, s16, $0xb8;
	[tilespmem:$0x1D900] =	vst v63  }
0xab: {  	_ =	swait.ge [sflag:s21], $0x4000  }
0xac: {  	[sflag:s21] =	ssyncset.done $0x0  }
0xad: {  	s13 =	sadd.s32 $0x50000, s12;
	s12 =	sadd.s32 $0x70000, s12;
	[sflag:s21] =	ssyncadd.s32 $0xFFFFC000  }
0xae: {  	[hbm4b:s13+s3] =	stream.linear.scatter [tilespmem:s22], [sflag:$0xB], $0x4000, $0x38;
	[tilespmem:$0x1D900] =	vst v63  }
0xaf: {  	_ =	swait.ge [sflag:s26], $0x4000  }
0xb0: {  	[sflag:s26] =	ssyncset.done $0x0  }
0xb1: {  	s4 =	rddreg [dreg:$0x9];
	[sflag:s26] =	ssyncadd.s32 $0xFFFFC000  }
0xb2: {  	[hbm4b:s4+s3] =	stream.linear.scatter [tilespmem:s24], [sflag:$0xC], $0x4000, $0x38;
	[tilespmem:$0x1D900] =	vst v63  }
0xb3: {  	_ =	swait.ge [sflag:s19], $0x4000  }
0xb4: {  	[sflag:s19] =	ssyncset.done $0x0  }
0xb5: {  	s13 =	rddreg [dreg:$0xa];
	[sflag:s19] =	ssyncadd.s32 $0xFFFFC000  }
0xb6: {  	[hbm4b:s13+s3] =	stream.linear.scatter [tilespmem:s28], [sflag:$0xD], $0x4000, $0x38;
	[tilespmem:$0x1D900] =	vst v63  }
0xb7: {  	_ =	swait.ge [sflag:s6], $0x4000  }
0xb8: {  	[sflag:s6] =	ssyncset.done $0x0  }
0xb9: {  	s11 =	rddreg [dreg:$0xb];
	[sflag:s6] =	ssyncadd.s32 $0xFFFFC000  }
0xba: {  	[hbm4b:s11+s3] =	stream.linear.scatter [tilespmem:s31], [sflag:$0xE], $0x4000, $0x38;
	[tilespmem:$0x1D900] =	vst v63  }
0xbb: {  	_ =	swait.ge [sflag:s25], $0x4000  }
0xbc: {  	[sflag:s25] =	ssyncset.done $0x0  }
0xbd: {  	s12 =	rddreg [dreg:$0xc];
	[sflag:s25] =	ssyncadd.s32 $0xFFFFC000  }
0xbe: {  	[hbm4b:s12+s3] =	stream.linear.scatter [tilespmem:s17], [sflag:$0x8], $0x4000, $0x38;
	[tilespmem:$0x1D900] =	vst v63  }
0xbf: {  	_ =	swait.ge [sflag:s0], $0x4000  }
0xc0: {  	[sflag:s0] =	ssyncset.done $0x0  }
0xc1: {  	[sflag:s0] =	ssyncadd.s32 $0xFFFFC000  }
0xc2: {  	_ =	swait.ge [sflag:s23], $0x4000  }
0xc3: {  	[sflag:s23] =	ssyncset.done $0x0  }
0xc4: {  	[sflag:s23] =	ssyncadd.s32 $0xFFFFC000  }
0xc5: {  	_ =	swait.ge [sflag:s30], $0x4000  }
0xc6: {  	[sflag:s30] =	ssyncset.done $0x0  }
0xc7: {  	[sflag:s30] =	ssyncadd.s32 $0xFFFFC000  }
0xc8: {  	_ =	swait.ge [sflag:s5], $0x4000  }
0xc9: {  	[sflag:s5] =	ssyncset.done $0x0  }
0xca: {  	[sflag:s5] =	ssyncadd.s32 $0xFFFFC000  }
0xcb: {  	_ =	swait.ge [sflag:s7], $0x4000  }
0xcc: {  	[sflag:s7] =	ssyncset.done $0x0  }
0xcd: {  	[sflag:s7] =	ssyncadd.s32 $0xFFFFC000  }
0xce: {  	_ =	swait.ge [sflag:s8], $0x4000  }
0xcf: {  	[sflag:s8] =	ssyncset.done $0x0  }
0xd0: {  	[sflag:s8] =	ssyncadd.s32 $0xFFFFC000  }
0xd1: {  	_ =	swait.ge [sflag:s9], $0x4000  }
0xd2: {  	s10 =	sadd.s32 $0x1, s10;
	s13 =	rddreg [dreg:$0xd]  }
0xd3: {  	p0 =	sne.s32 s10, s13  }
.Ltmp1:
0xd4: {  	_ = 	snop;
	(pc) =	sbr.rel @p0 .LBB2_1-.Ltmp1, $3  }
0xd5: {  	_ =	sdelay $0x1  }
0xd6: {  	[sflag:s9] =	ssyncset.done $0x0  }
0xd7: {  	[sflag:s9] =	ssyncadd.s32 $0xFFFFC000  }
0xd8: {  	_ =	sfence.sel $0x180000  }
0xd9: {  	[bflag:$0x0] =	sbarrier.arrive $0xFFFF  }
0xda: {  	_ =	strace $0x90000047  }
0xdb: {  	s0 =	stileid.u32;
	[bflag:$0x2] =	sbarrier.arrive $0xFFFF  }
0xdc: {  	p0 =	sne.s32 s0, $0x0;
	s0 =	rddreg [dreg:$0x3]  }
0xdd: {  	s0 =	sadd.s32 @!p0 $0x100000, s0  }
0xde: {  	[sflag:s0] =	ssyncadd.tile.s32 @!p0 $0x1;
	_ =	shalt  }
.Lfunc_end2:
_tile_overlayer_lowered:
.L_overlay_start_2:
0xdf: {  	(tag) =	ssettag $0x2  }
0xe0: {  	s0 =	rddreg [dreg:$0x0];
	s2 =	stileid.u32  }
0xe1: {  	s1 =	rddreg [dreg:$0x1];
	p0 =	sne.s32 s2, $0x0  }
0xe2: {  	s3 =	rddreg [dreg:$0x2];
	[bflag:$0x3] =	sbarrier.arrive $0xFFFF;
	s2 =	simm.s32 @!p0 $0x1C0F  }
0xe3: {  	[timem:s3], [sflag:s2] =	dma.local @!p0 [hbm:s0], s1  }
0xe4: {  	s0 =	simm.s32 @!p0 $0xF  }
0xe5: {  	_ =	swait.ge @!p0 [sflag:s0], s1  }
0xe6: {  	s1 =	ssub.s32 @!p0 $0x0, s1;
	[sflag:s0] =	ssyncset.done @!p0 $0x0  }
0xe7: {  	[sflag:s0] =	ssyncadd.s32 @!p0 s1  }
0xe8: {  	[bflag:$0x3] =	sbarrier.arrive $0xFFFF  }
0xe9: {  	_ =	shalt  }

</sc_bundles>
